<compile_context>
chip_gen: v7x
topology: tpu7x:2x2x1
jax: 0.10.2.dev20260603
libtpu: 0.0.44.dev20260713+nightly
codegen_flags: <defaults>
</compile_context>

<pallas_src>
import functools

import jax
import jax.numpy as jnp
from jax import lax
from jax.experimental import pallas as pl
from jax.experimental.pallas import tpu as pltpu
from jax.experimental.pallas import tpu_sc as plsc


_NEG_INF = float("-inf")
_NW = 32


def _row_pass(lab_ref, gt_ref, pb_ref, gb_ref, m4_ref, ls_ref, stats_ref):
    P, C = lab_ref.shape[1], lab_ref.shape[2]
    x = lab_ref[0]
    e = jnp.exp(x)
    s = jnp.sum(e, axis=1)
    lse = jnp.log(s)
    x0 = x[:, 0]
    gt = gt_ref[0, 0]
    pos = gt > 0
    posf = pos.astype(jnp.float32)
    pos_cnt = jnp.sum(posf)
    lse_pos = jnp.sum(jnp.where(pos, lse, 0.0))
    x0_neg = jnp.sum(jnp.where(pos, 0.0, x0))
    lsneg = jnp.where(pos, _NEG_INF, lse - x0)

    pb = pb_ref[0]
    gb = gb_ref[0]
    m4 = m4_ref[0]
    d = jnp.abs(pb - gb)
    sl = jnp.where(d < 1.0, 0.5 * d * d, d - 0.5)
    loc = jnp.sum(sl * m4)

    ls_ref[0, 0] = lsneg
    lane = lax.broadcasted_iota(jnp.int32, (128,), 0)
    stats_ref[0, 0] = jnp.where(
        lane == 0, pos_cnt,
        jnp.where(lane == 1, lse_pos,
                  jnp.where(lane == 2, loc,
                            jnp.where(lane == 3, x0_neg, 0.0))))


def _select(ls_ref, st_ref, gs_ref, npr_ref, out_ref):
    Brows, P = ls_ref.shape
    LS = ls_ref[...]
    K = lax.bitcast_convert_type(LS, jnp.int32)
    K = K ^ (jnp.int32(0x7FFFFFFF) & (K >> 31))
    st = st_ref[...]
    pos_cnt = st[:, 0:1]
    lse_pos = st[:, 1:2]
    loc_sum = st[:, 2:3]
    x0_neg = st[:, 3:4]
    g_all = jnp.sum(gs_ref[...])
    npr = npr_ref[0, 0]
    pos_i = pos_cnt.astype(jnp.int32)
    neg_i = P - pos_i
    k = jnp.minimum(npr * pos_i, neg_i)

    lo = jnp.full((Brows, 1), -2**31, jnp.int32)
    hi = jnp.full((Brows, 1), 2**31 - 1, jnp.int32)

    def it(_, lohi):
        lo, hi = lohi
        xr = lo ^ hi
        mid = (lo & hi) + (xr >> 1) + (xr & 1)
        cnt = jnp.sum((K >= mid).astype(jnp.int32), axis=1, keepdims=True)
        ge = cnt >= k
        return jnp.where(ge, mid, lo), jnp.where(ge, hi, mid - 1)

    lo, hi = lax.fori_loop(0, 32, it, (lo, hi))
    T = lo
    tb = T ^ (jnp.int32(0x7FFFFFFF) & (T >> 31))
    thr = lax.bitcast_convert_type(tb, jnp.float32)
    gtm = K > T
    cnt_gt = jnp.sum(gtm.astype(jnp.int32), axis=1, keepdims=True)
    sum_gt = jnp.sum(jnp.where(gtm, LS, 0.0), axis=1, keepdims=True)
    topk = jnp.where(
        k > 0, sum_gt + (k - cnt_gt).astype(jnp.float32) * thr, 0.0)

    conf_total = (jnp.sum(lse_pos) - g_all + jnp.sum(x0_neg)
                  + jnp.sum(topk))
    loc_total = jnp.sum(loc_sum)
    denom = jnp.sum(pos_cnt) + 1e-7
    lane = lax.broadcasted_iota(jnp.int32, (128,), 0)
    out_ref[0] = jnp.where(
        lane == 0, loc_total / denom,
        jnp.where(lane == 1, conf_total / denom, 0.0))


def _make_sc_gather(n_total, n_classes):
    chunk = n_total // _NW
    assert chunk * _NW == n_total and chunk % 8 == 0
    nrows = (chunk + 127) // 128
    mesh = plsc.VectorSubcoreMesh(core_axis_name="c", subcore_axis_name="s")

    @functools.partial(
        pl.kernel, mesh=mesh,
        out_type=jax.ShapeDtypeStruct((_NW, 16), jnp.float32),
        scratch_types=[
            pltpu.VMEM((nrows * 128,), jnp.int32),
            pltpu.VMEM((nrows, 128), jnp.int32),
            pltpu.VMEM((nrows, 128), jnp.float32),
            pltpu.VMEM((16,), jnp.float32),
            pltpu.SemaphoreType.DMA,
        ],
    )
    def sc_gather(gt_hbm, lab_hbm, out_hbm, gt_v, idx_v, val_v, acc_v, sem):
        wid = lax.axis_index("s") * 2 + lax.axis_index("c")
        base = wid * chunk
        pltpu.sync_copy(gt_hbm.at[pl.ds(base, chunk)],
                        gt_v.at[pl.ds(0, chunk)])
        lane16 = lax.broadcasted_iota(jnp.int32, (16,), 0)

        def idx_row(i, carry):
            for l in range(8):
                off = i * 128 + l * 16
                valid = (off + lane16) < chunk
                gtv = gt_v[pl.ds(off, 16)]
                flat = (base + off + lane16) * n_classes + gtv
                idx_v[i, pl.ds(l * 16, 16)] = jnp.where(valid, flat, 0)
            return carry

        lax.fori_loop(0, nrows, idx_row, 0)

        def fire(j, carry):
            pltpu.async_copy(lab_hbm.at[idx_v.at[j]], val_v.at[j], sem)
            return carry

        lax.fori_loop(0, nrows, fire, 0)

        def drain(j, carry):
            pltpu.make_async_copy(lab_hbm.at[idx_v.at[j]], val_v.at[j],
                                  sem).wait()
            return carry

        lax.fori_loop(0, nrows, drain, 0)

        def accum(i, acc):
            for l in range(8):
                off = i * 128 + l * 16
                valid = (off + lane16) < chunk
                v = val_v[i, pl.ds(l * 16, 16)]
                acc = acc + jnp.where(valid, v, 0.0)
            return acc

        acc = lax.fori_loop(0, nrows, accum, jnp.zeros((16,), jnp.float32))
        acc_v[...] = acc
        pltpu.sync_copy(acc_v, out_hbm.at[wid])

    return sc_gather


def _ssd_loss(predict_bboxes, predict_labels, gt_bboxes, gt_labels, npr):
    B, P, C = predict_labels.shape
    gt3 = gt_labels.reshape(B, 1, P)
    pad4 = ((4 * P + 127) // 128) * 128
    rows4 = pad4 // 128
    flat_pad = lambda a: jnp.pad(
        a.reshape(B, -1), ((0, 0), (0, pad4 - 4 * P))).reshape(B, rows4, 128)
    pb4 = flat_pad(predict_bboxes)
    gb4 = flat_pad(gt_bboxes)
    posf = (gt_labels > 0).astype(jnp.float32)
    m4 = flat_pad(jnp.repeat(posf, 4, axis=1))

    gsum = _make_sc_gather(B * P, C)(
        gt_labels.reshape(B * P), predict_labels.reshape(B * P * C))

    ls, stats = pl.pallas_call(
        _row_pass,
        grid=(B,),
        in_specs=[
            pl.BlockSpec((1, P, C), lambda b: (b, 0, 0)),
            pl.BlockSpec((1, 1, P), lambda b: (b, 0, 0)),
            pl.BlockSpec((1, rows4, 128), lambda b: (b, 0, 0)),
            pl.BlockSpec((1, rows4, 128), lambda b: (b, 0, 0)),
            pl.BlockSpec((1, rows4, 128), lambda b: (b, 0, 0)),
        ],
        out_specs=[
            pl.BlockSpec((1, 1, P), lambda b: (b, 0, 0)),
            pl.BlockSpec((1, 1, 128), lambda b: (b, 0, 0)),
        ],
        out_shape=[
            jax.ShapeDtypeStruct((B, 1, P), jnp.float32),
            jax.ShapeDtypeStruct((B, 1, 128), jnp.float32),
        ],
    )(predict_labels, gt3, pb4, gb4, m4)
    out = pl.pallas_call(
        _select,
        in_specs=[
            pl.BlockSpec((B, P), lambda: (0, 0)),
            pl.BlockSpec((B, 128), lambda: (0, 0)),
            pl.BlockSpec((_NW // 8, 128), lambda: (0, 0)),
            pl.BlockSpec((1, 1), lambda: (0, 0)),
        ],
        out_specs=pl.BlockSpec((1, 128), lambda: (0, 0)),
        out_shape=jax.ShapeDtypeStruct((1, 128), jnp.float32),
    )(ls.reshape(B, P), stats.reshape(B, 128),
      gsum.reshape(_NW // 8, 128), npr.reshape(1, 1))
    return out[0, 0], out[0, 1]


def kernel(predict_bboxes, predict_labels, gt_bboxes, gt_labels,
           neg_pos_ratio):
    npr = jnp.asarray(neg_pos_ratio, jnp.int32)
    return _ssd_loss(predict_bboxes, predict_labels, gt_bboxes, gt_labels,
                     npr)

# --- scband reference (transcript-rebuilt; emitter-appended) ---
"""Pipeline reference for scband-ssdloss-12343736008939 (READ-ONLY COPY).

The authoritative reference and input builder live on the scoring server;
editing this copy changes nothing except your own understanding.
"""

import jax, jax.numpy as jnp
import numpy as np


def _smooth_l1(x, y):
    d = jnp.abs(x - y)
    return jnp.where(d < 1.0, 0.5 * d * d, d - 0.5)


def setup_inputs(seed: int = 0) -> dict:
    key = jax.random.key(seed)
    k1, k2, k3, k4 = jax.random.split(key, 4)
    B, P, C = 64, 8732, 81
    return {
        "predict_bboxes": jax.random.normal(k1, (B, P, 4), dtype=jnp.float32),
        "predict_labels": jax.random.normal(k2, (B, P, C), dtype=jnp.float32),
        "gt_bboxes": jax.random.normal(k3, (B, P, 4), dtype=jnp.float32),
        "gt_labels": jax.random.randint(k4, (B, P), 0, 81, dtype=jnp.int32),
        "neg_pos_ratio": 3,
    }


def _hard_neg_mining(log_softmax, gt_labels, neg_pos_ratio):
    pos_mask = gt_labels > 0
    pos_num = jnp.sum(pos_mask, axis=1, keepdims=True)
    neg_num = pos_num * neg_pos_ratio
    ls = jnp.where(pos_mask, -jnp.inf, log_softmax)
    sort_index = jnp.argsort(-ls, axis=1)
    range_index = jnp.argsort(sort_index, axis=1)
    neg_mask = range_index < neg_num
    return pos_mask | neg_mask


def reference(predict_bboxes, predict_labels, gt_bboxes, gt_labels, neg_pos_ratio):
    class_num = predict_labels.shape[-1]
    pos_mask = gt_labels > 0
    loc_elem = _smooth_l1(predict_bboxes, gt_bboxes)
    loc_loss = jnp.sum(jnp.where(pos_mask[:, :, None], loc_elem, 0.0))
    loc_num = jnp.sum(pos_mask)
    loc_loss = loc_loss / (loc_num + 1e-7)

    log_sm = -jax.nn.log_softmax(predict_labels, axis=2)[:, :, 0]
    mask = _hard_neg_mining(log_sm, gt_labels, neg_pos_ratio)

    ce_elem = (
        jax.nn.logsumexp(predict_labels, axis=2)
        - jnp.take_along_axis(predict_labels, gt_labels[:, :, None], axis=2)[:, :, 0]
    )
    ce = jnp.sum(jnp.where(mask, ce_elem, 0.0))
    conf_loss = ce / (loc_num + 1e-7)
    return (loc_loss, conf_loss)

if __name__ == "__main__":
    import jax
    _d = setup_inputs()
    print(jax.jit(kernel)(*tuple(_d.values())))

</pallas_src>

<mosaic_0001>
#map = affine_map<(d0, d1) -> (0)>
#map1 = affine_map<(d0, d1) -> (0, 0)>
module attributes {stable_mosaic.version = 14 : i64} {
  func.func @sc_gather(%arg0: i32, %arg1: i32, %arg2: memref<558848xi32, #tpu.memory_space<hbm>>, %arg3: memref<45266688xf32, #tpu.memory_space<hbm>>, %arg4: memref<32x16xf32, #tpu.memory_space<hbm>>, %arg5: memref<17536xi32, #tpu.memory_space<vmem>>, %arg6: memref<137x128xi32, #tpu.memory_space<vmem>>, %arg7: memref<137x128xf32, #tpu.memory_space<vmem>>, %arg8: memref<16xf32, #tpu.memory_space<vmem>>, %arg9: memref<!tpu.dma_semaphore, #tpu.memory_space<semaphore_mem>>) attributes {dimension_semantics = [#tpu.dimension_semantics<core_parallel>, #tpu.dimension_semantics<subcore_parallel>], iteration_bounds = array<i64: 2, 16>, scalar_prefetch = 0 : i64, scratch_operands = 5 : i64, tpu.core_type = #tpu.core_type<sc_vector_subcore>, window_params = [{transform_indices = #map}, {transform_indices = #map}, {transform_indices = #map1}]} {
    %mul3A = arith.constant 2 : i32
    %mul3A_0 = arith.muli %arg1, %mul3A : i32
    %add3A = arith.addi %mul3A_0, %arg0 : i32
    %mul3A_1 = arith.constant 17464 : i32
    %mul3A_2 = arith.muli %add3A, %mul3A_1 : i32
    "tpu.region"() ({
      %run_scoped3A = tpu.sem_alloc : memref<!tpu.dma_semaphore, #tpu.memory_space<semaphore_mem>>
      %dma_start3A = arith.constant 0 : i32
      %dma_start3A_30 = tpu.memref_slice %arg5[%dma_start3A] : memref<17536xi32, #tpu.memory_space<vmem>> -> memref<17464xi32, #tpu.memory_space<vmem>>
      %dma_start3A_31 = tpu.memref_slice %arg2[%mul3A_2] : memref<558848xi32, #tpu.memory_space<hbm>> -> memref<17464xi32, #tpu.memory_space<hbm>>
      %dma_start3A_32 = arith.constant 0 : i32
      %dma_start3A_33 = tpu.memref_slice %arg5[%dma_start3A_32] : memref<17536xi32, #tpu.memory_space<vmem>> -> memref<17464xi32, #tpu.memory_space<vmem>>
      %dma_start3A_34 = tpu.memref_slice %arg2[%mul3A_2] : memref<558848xi32, #tpu.memory_space<hbm>> -> memref<17464xi32, #tpu.memory_space<hbm>>
      tpu.enqueue_dma source(%dma_start3A_34 : memref<17464xi32, #tpu.memory_space<hbm>>) target(%dma_start3A_33 : memref<17464xi32, #tpu.memory_space<vmem>>) target_semaphore(%run_scoped3A : memref<!tpu.dma_semaphore, #tpu.memory_space<semaphore_mem>>)
      %dma_wait3A = arith.constant 0 : i32
      %dma_wait3A_35 = tpu.memref_slice %arg5[%dma_wait3A] : memref<17536xi32, #tpu.memory_space<vmem>> -> memref<17464xi32, #tpu.memory_space<vmem>>
      %dma_wait3A_36 = tpu.memref_slice %arg2[%mul3A_2] : memref<558848xi32, #tpu.memory_space<hbm>> -> memref<17464xi32, #tpu.memory_space<hbm>>
      %dma_wait3A_37 = arith.constant 0 : i32
      %dma_wait3A_38 = tpu.memref_slice %arg5[%dma_wait3A_37] : memref<17536xi32, #tpu.memory_space<vmem>> -> memref<17464xi32, #tpu.memory_space<vmem>>
      %dma_wait3A_39 = tpu.memref_slice %arg2[%mul3A_2] : memref<558848xi32, #tpu.memory_space<hbm>> -> memref<17464xi32, #tpu.memory_space<hbm>>
      tpu.wait_dma2 semaphore(%run_scoped3A : memref<!tpu.dma_semaphore, #tpu.memory_space<semaphore_mem>>) src(%dma_wait3A_39 : memref<17464xi32, #tpu.memory_space<hbm>>) dst(%dma_wait3A_38 : memref<17464xi32, #tpu.memory_space<vmem>>)
      tpu.yield
    }) : () -> ()
    %iota3A = tpu.iota {dimensions = array<i32: 0>} : vector<16xi32>
    %scan3A = arith.constant 0 : i32
    %scan3A_3 = arith.constant 0 : i32
    %scan3A_4 = arith.constant 137 : i32
    %scan3A_5 = arith.addi %scan3A_3, %scan3A_4 : i32
    %scan3A_6 = arith.constant 1 : i32
    scf.for %scan3A_30 = %scan3A_3 to %scan3A_5 step %scan3A_6  : i32 {
      %mul3A_31 = arith.constant 128 : i32
      %mul3A_32 = arith.muli %scan3A_30, %mul3A_31 : i32
      %add3A_33 = arith.constant 0 : i32
      %add3A_34 = arith.addi %mul3A_32, %add3A_33 : i32
      %add3A_35 = vector.broadcast %add3A_34 : i32 to vector<16xi32>
      %add3A_36 = arith.addi %add3A_35, %iota3A : vector<16xi32>
      %lt3A = arith.constant 17464 : i32
      %lt3A_37 = vector.broadcast %lt3A : i32 to vector<16xi32>
      %lt3A_38 = arith.cmpi slt, %add3A_36, %lt3A_37 : vector<16xi32>
      %get3A = arith.index_cast %add3A_34 : i32 to index
      %get3A_39 = tpu.vector_load %arg5[%get3A] {strides = array<i32>} : memref<17536xi32, #tpu.memory_space<vmem>>, vector<16xi32>,
      %get3A_40 = vector.shape_cast %get3A_39 : vector<16xi32> to vector<16xi32>
      %add3A_41 = arith.addi %mul3A_2, %add3A_34 : i32
      %add3A_42 = vector.broadcast %add3A_41 : i32 to vector<16xi32>
      %add3A_43 = arith.addi %add3A_42, %iota3A : vector<16xi32>
      %mul3A_44 = arith.constant 81 : i32
      %mul3A_45 = vector.broadcast %mul3A_44 : i32 to vector<16xi32>
      %mul3A_46 = arith.muli %add3A_43, %mul3A_45 : vector<16xi32>
      %add3A_47 = arith.addi %mul3A_46, %get3A_40 : vector<16xi32>
      %jit3A = arith.constant 0 : i32
      %broadcast_in_dim3A_48 = vector.broadcast %jit3A : i32 to vector<16xi32>
      %select_n3A = arith.select %lt3A_38, %add3A_47, %broadcast_in_dim3A_48 : vector<16xi1>, vector<16xi32>
      %swap3A_49 = arith.index_cast %scan3A_30 : i32 to index
      %swap3A_50 = arith.constant 0 : index
      %swap3A_51 = tpu.vector_load %arg6[%swap3A_49, %swap3A_50] {strides = array<i32>} : memref<137x128xi32, #tpu.memory_space<vmem>>, vector<1x16xi32>,
      %swap3A_52 = vector.shape_cast %swap3A_51 : vector<1x16xi32> to vector<16xi32>
      %swap3A_53 = vector.shape_cast %select_n3A : vector<16xi32> to vector<1x16xi32>
      tpu.vector_store %arg6[%swap3A_49, %swap3A_50], %swap3A_53 {strides = array<i32>} : memref<137x128xi32, #tpu.memory_space<vmem>>, vector<1x16xi32>,
      %mul3A_54 = arith.constant 128 : i32
      %mul3A_55 = arith.muli %scan3A_30, %mul3A_54 : i32
      %add3A_56 = arith.constant 16 : i32
      %add3A_57 = arith.addi %mul3A_55, %add3A_56 : i32
      %add3A_58 = vector.broadcast %add3A_57 : i32 to vector<16xi32>
      %add3A_59 = arith.addi %add3A_58, %iota3A : vector<16xi32>
      %lt3A_60 = arith.constant 17464 : i32
      %lt3A_61 = vector.broadcast %lt3A_60 : i32 to vector<16xi32>
      %lt3A_62 = arith.cmpi slt, %add3A_59, %lt3A_61 : vector<16xi32>
      %get3A_63 = arith.index_cast %add3A_57 : i32 to index
      %get3A_64 = tpu.vector_load %arg5[%get3A_63] {strides = array<i32>} : memref<17536xi32, #tpu.memory_space<vmem>>, vector<16xi32>,
      %get3A_65 = vector.shape_cast %get3A_64 : vector<16xi32> to vector<16xi32>
      %add3A_66 = arith.addi %mul3A_2, %add3A_57 : i32
      %add3A_67 = vector.broadcast %add3A_66 : i32 to vector<16xi32>
      %add3A_68 = arith.addi %add3A_67, %iota3A : vector<16xi32>
      %mul3A_69 = arith.constant 81 : i32
      %mul3A_70 = vector.broadcast %mul3A_69 : i32 to vector<16xi32>
      %mul3A_71 = arith.muli %add3A_68, %mul3A_70 : vector<16xi32>
      %add3A_72 = arith.addi %mul3A_71, %get3A_65 : vector<16xi32>
      %jit3A_73 = arith.constant 0 : i32
      %broadcast_in_dim3A_74 = vector.broadcast %jit3A_73 : i32 to vector<16xi32>
      %select_n3A_75 = arith.select %lt3A_62, %add3A_72, %broadcast_in_dim3A_74 : vector<16xi1>, vector<16xi32>
      %swap3A_76 = arith.index_cast %scan3A_30 : i32 to index
      %swap3A_77 = arith.constant 16 : index
      %swap3A_78 = tpu.vector_load %arg6[%swap3A_76, %swap3A_77] {strides = array<i32>} : memref<137x128xi32, #tpu.memory_space<vmem>>, vector<1x16xi32>,
      %swap3A_79 = vector.shape_cast %swap3A_78 : vector<1x16xi32> to vector<16xi32>
      %swap3A_80 = vector.shape_cast %select_n3A_75 : vector<16xi32> to vector<1x16xi32>
      tpu.vector_store %arg6[%swap3A_76, %swap3A_77], %swap3A_80 {strides = array<i32>} : memref<137x128xi32, #tpu.memory_space<vmem>>, vector<1x16xi32>,
      %mul3A_81 = arith.constant 128 : i32
      %mul3A_82 = arith.muli %scan3A_30, %mul3A_81 : i32
      %add3A_83 = arith.constant 32 : i32
      %add3A_84 = arith.addi %mul3A_82, %add3A_83 : i32
      %add3A_85 = vector.broadcast %add3A_84 : i32 to vector<16xi32>
      %add3A_86 = arith.addi %add3A_85, %iota3A : vector<16xi32>
      %lt3A_87 = arith.constant 17464 : i32
      %lt3A_88 = vector.broadcast %lt3A_87 : i32 to vector<16xi32>
      %lt3A_89 = arith.cmpi slt, %add3A_86, %lt3A_88 : vector<16xi32>
      %get3A_90 = arith.index_cast %add3A_84 : i32 to index
      %get3A_91 = tpu.vector_load %arg5[%get3A_90] {strides = array<i32>} : memref<17536xi32, #tpu.memory_space<vmem>>, vector<16xi32>,
      %get3A_92 = vector.shape_cast %get3A_91 : vector<16xi32> to vector<16xi32>
      %add3A_93 = arith.addi %mul3A_2, %add3A_84 : i32
      %add3A_94 = vector.broadcast %add3A_93 : i32 to vector<16xi32>
      %add3A_95 = arith.addi %add3A_94, %iota3A : vector<16xi32>
      %mul3A_96 = arith.constant 81 : i32
      %mul3A_97 = vector.broadcast %mul3A_96 : i32 to vector<16xi32>
      %mul3A_98 = arith.muli %add3A_95, %mul3A_97 : vector<16xi32>
      %add3A_99 = arith.addi %mul3A_98, %get3A_92 : vector<16xi32>
      %jit3A_100 = arith.constant 0 : i32
      %broadcast_in_dim3A_101 = vector.broadcast %jit3A_100 : i32 to vector<16xi32>
      %select_n3A_102 = arith.select %lt3A_89, %add3A_99, %broadcast_in_dim3A_101 : vector<16xi1>, vector<16xi32>
      %swap3A_103 = arith.index_cast %scan3A_30 : i32 to index
      %swap3A_104 = arith.constant 32 : index
      %swap3A_105 = tpu.vector_load %arg6[%swap3A_103, %swap3A_104] {strides = array<i32>} : memref<137x128xi32, #tpu.memory_space<vmem>>, vector<1x16xi32>,
      %swap3A_106 = vector.shape_cast %swap3A_105 : vector<1x16xi32> to vector<16xi32>
      %swap3A_107 = vector.shape_cast %select_n3A_102 : vector<16xi32> to vector<1x16xi32>
      tpu.vector_store %arg6[%swap3A_103, %swap3A_104], %swap3A_107 {strides = array<i32>} : memref<137x128xi32, #tpu.memory_space<vmem>>, vector<1x16xi32>,
      %mul3A_108 = arith.constant 128 : i32
      %mul3A_109 = arith.muli %scan3A_30, %mul3A_108 : i32
      %add3A_110 = arith.constant 48 : i32
      %add3A_111 = arith.addi %mul3A_109, %add3A_110 : i32
      %add3A_112 = vector.broadcast %add3A_111 : i32 to vector<16xi32>
      %add3A_113 = arith.addi %add3A_112, %iota3A : vector<16xi32>
      %lt3A_114 = arith.constant 17464 : i32
      %lt3A_115 = vector.broadcast %lt3A_114 : i32 to vector<16xi32>
      %lt3A_116 = arith.cmpi slt, %add3A_113, %lt3A_115 : vector<16xi32>
      %get3A_117 = arith.index_cast %add3A_111 : i32 to index
      %get3A_118 = tpu.vector_load %arg5[%get3A_117] {strides = array<i32>} : memref<17536xi32, #tpu.memory_space<vmem>>, vector<16xi32>,
      %get3A_119 = vector.shape_cast %get3A_118 : vector<16xi32> to vector<16xi32>
      %add3A_120 = arith.addi %mul3A_2, %add3A_111 : i32
      %add3A_121 = vector.broadcast %add3A_120 : i32 to vector<16xi32>
      %add3A_122 = arith.addi %add3A_121, %iota3A : vector<16xi32>
      %mul3A_123 = arith.constant 81 : i32
      %mul3A_124 = vector.broadcast %mul3A_123 : i32 to vector<16xi32>
      %mul3A_125 = arith.muli %add3A_122, %mul3A_124 : vector<16xi32>
      %add3A_126 = arith.addi %mul3A_125, %get3A_119 : vector<16xi32>
      %jit3A_127 = arith.constant 0 : i32
      %broadcast_in_dim3A_128 = vector.broadcast %jit3A_127 : i32 to vector<16xi32>
      %select_n3A_129 = arith.select %lt3A_116, %add3A_126, %broadcast_in_dim3A_128 : vector<16xi1>, vector<16xi32>
      %swap3A_130 = arith.index_cast %scan3A_30 : i32 to index
      %swap3A_131 = arith.constant 48 : index
      %swap3A_132 = tpu.vector_load %arg6[%swap3A_130, %swap3A_131] {strides = array<i32>} : memref<137x128xi32, #tpu.memory_space<vmem>>, vector<1x16xi32>,
      %swap3A_133 = vector.shape_cast %swap3A_132 : vector<1x16xi32> to vector<16xi32>
      %swap3A_134 = vector.shape_cast %select_n3A_129 : vector<16xi32> to vector<1x16xi32>
      tpu.vector_store %arg6[%swap3A_130, %swap3A_131], %swap3A_134 {strides = array<i32>} : memref<137x128xi32, #tpu.memory_space<vmem>>, vector<1x16xi32>,
      %mul3A_135 = arith.constant 128 : i32
      %mul3A_136 = arith.muli %scan3A_30, %mul3A_135 : i32
      %add3A_137 = arith.constant 64 : i32
      %add3A_138 = arith.addi %mul3A_136, %add3A_137 : i32
      %add3A_139 = vector.broadcast %add3A_138 : i32 to vector<16xi32>
      %add3A_140 = arith.addi %add3A_139, %iota3A : vector<16xi32>
      %lt3A_141 = arith.constant 17464 : i32
      %lt3A_142 = vector.broadcast %lt3A_141 : i32 to vector<16xi32>
      %lt3A_143 = arith.cmpi slt, %add3A_140, %lt3A_142 : vector<16xi32>
      %get3A_144 = arith.index_cast %add3A_138 : i32 to index
      %get3A_145 = tpu.vector_load %arg5[%get3A_144] {strides = array<i32>} : memref<17536xi32, #tpu.memory_space<vmem>>, vector<16xi32>,
      %get3A_146 = vector.shape_cast %get3A_145 : vector<16xi32> to vector<16xi32>
      %add3A_147 = arith.addi %mul3A_2, %add3A_138 : i32
      %add3A_148 = vector.broadcast %add3A_147 : i32 to vector<16xi32>
      %add3A_149 = arith.addi %add3A_148, %iota3A : vector<16xi32>
      %mul3A_150 = arith.constant 81 : i32
      %mul3A_151 = vector.broadcast %mul3A_150 : i32 to vector<16xi32>
      %mul3A_152 = arith.muli %add3A_149, %mul3A_151 : vector<16xi32>
      %add3A_153 = arith.addi %mul3A_152, %get3A_146 : vector<16xi32>
      %jit3A_154 = arith.constant 0 : i32
      %broadcast_in_dim3A_155 = vector.broadcast %jit3A_154 : i32 to vector<16xi32>
      %select_n3A_156 = arith.select %lt3A_143, %add3A_153, %broadcast_in_dim3A_155 : vector<16xi1>, vector<16xi32>
      %swap3A_157 = arith.index_cast %scan3A_30 : i32 to index
      %swap3A_158 = arith.constant 64 : index
      %swap3A_159 = tpu.vector_load %arg6[%swap3A_157, %swap3A_158] {strides = array<i32>} : memref<137x128xi32, #tpu.memory_space<vmem>>, vector<1x16xi32>,
      %swap3A_160 = vector.shape_cast %swap3A_159 : vector<1x16xi32> to vector<16xi32>
      %swap3A_161 = vector.shape_cast %select_n3A_156 : vector<16xi32> to vector<1x16xi32>
      tpu.vector_store %arg6[%swap3A_157, %swap3A_158], %swap3A_161 {strides = array<i32>} : memref<137x128xi32, #tpu.memory_space<vmem>>, vector<1x16xi32>,
      %mul3A_162 = arith.constant 128 : i32
      %mul3A_163 = arith.muli %scan3A_30, %mul3A_162 : i32
      %add3A_164 = arith.constant 80 : i32
      %add3A_165 = arith.addi %mul3A_163, %add3A_164 : i32
      %add3A_166 = vector.broadcast %add3A_165 : i32 to vector<16xi32>
      %add3A_167 = arith.addi %add3A_166, %iota3A : vector<16xi32>
      %lt3A_168 = arith.constant 17464 : i32
      %lt3A_169 = vector.broadcast %lt3A_168 : i32 to vector<16xi32>
      %lt3A_170 = arith.cmpi slt, %add3A_167, %lt3A_169 : vector<16xi32>
      %get3A_171 = arith.index_cast %add3A_165 : i32 to index
      %get3A_172 = tpu.vector_load %arg5[%get3A_171] {strides = array<i32>} : memref<17536xi32, #tpu.memory_space<vmem>>, vector<16xi32>,
      %get3A_173 = vector.shape_cast %get3A_172 : vector<16xi32> to vector<16xi32>
      %add3A_174 = arith.addi %mul3A_2, %add3A_165 : i32
      %add3A_175 = vector.broadcast %add3A_174 : i32 to vector<16xi32>
      %add3A_176 = arith.addi %add3A_175, %iota3A : vector<16xi32>
      %mul3A_177 = arith.constant 81 : i32
      %mul3A_178 = vector.broadcast %mul3A_177 : i32 to vector<16xi32>
      %mul3A_179 = arith.muli %add3A_176, %mul3A_178 : vector<16xi32>
      %add3A_180 = arith.addi %mul3A_179, %get3A_173 : vector<16xi32>
      %jit3A_181 = arith.constant 0 : i32
      %broadcast_in_dim3A_182 = vector.broadcast %jit3A_181 : i32 to vector<16xi32>
      %select_n3A_183 = arith.select %lt3A_170, %add3A_180, %broadcast_in_dim3A_182 : vector<16xi1>, vector<16xi32>
      %swap3A_184 = arith.index_cast %scan3A_30 : i32 to index
      %swap3A_185 = arith.constant 80 : index
      %swap3A_186 = tpu.vector_load %arg6[%swap3A_184, %swap3A_185] {strides = array<i32>} : memref<137x128xi32, #tpu.memory_space<vmem>>, vector<1x16xi32>,
      %swap3A_187 = vector.shape_cast %swap3A_186 : vector<1x16xi32> to vector<16xi32>
      %swap3A_188 = vector.shape_cast %select_n3A_183 : vector<16xi32> to vector<1x16xi32>
      tpu.vector_store %arg6[%swap3A_184, %swap3A_185], %swap3A_188 {strides = array<i32>} : memref<137x128xi32, #tpu.memory_space<vmem>>, vector<1x16xi32>,
      %mul3A_189 = arith.constant 128 : i32
      %mul3A_190 = arith.muli %scan3A_30, %mul3A_189 : i32
      %add3A_191 = arith.constant 96 : i32
      %add3A_192 = arith.addi %mul3A_190, %add3A_191 : i32
      %add3A_193 = vector.broadcast %add3A_192 : i32 to vector<16xi32>
      %add3A_194 = arith.addi %add3A_193, %iota3A : vector<16xi32>
      %lt3A_195 = arith.constant 17464 : i32
      %lt3A_196 = vector.broadcast %lt3A_195 : i32 to vector<16xi32>
      %lt3A_197 = arith.cmpi slt, %add3A_194, %lt3A_196 : vector<16xi32>
      %get3A_198 = arith.index_cast %add3A_192 : i32 to index
      %get3A_199 = tpu.vector_load %arg5[%get3A_198] {strides = array<i32>} : memref<17536xi32, #tpu.memory_space<vmem>>, vector<16xi32>,
      %get3A_200 = vector.shape_cast %get3A_199 : vector<16xi32> to vector<16xi32>
      %add3A_201 = arith.addi %mul3A_2, %add3A_192 : i32
      %add3A_202 = vector.broadcast %add3A_201 : i32 to vector<16xi32>
      %add3A_203 = arith.addi %add3A_202, %iota3A : vector<16xi32>
      %mul3A_204 = arith.constant 81 : i32
      %mul3A_205 = vector.broadcast %mul3A_204 : i32 to vector<16xi32>
      %mul3A_206 = arith.muli %add3A_203, %mul3A_205 : vector<16xi32>
      %add3A_207 = arith.addi %mul3A_206, %get3A_200 : vector<16xi32>
      %jit3A_208 = arith.constant 0 : i32
      %broadcast_in_dim3A_209 = vector.broadcast %jit3A_208 : i32 to vector<16xi32>
      %select_n3A_210 = arith.select %lt3A_197, %add3A_207, %broadcast_in_dim3A_209 : vector<16xi1>, vector<16xi32>
      %swap3A_211 = arith.index_cast %scan3A_30 : i32 to index
      %swap3A_212 = arith.constant 96 : index
      %swap3A_213 = tpu.vector_load %arg6[%swap3A_211, %swap3A_212] {strides = array<i32>} : memref<137x128xi32, #tpu.memory_space<vmem>>, vector<1x16xi32>,
      %swap3A_214 = vector.shape_cast %swap3A_213 : vector<1x16xi32> to vector<16xi32>
      %swap3A_215 = vector.shape_cast %select_n3A_210 : vector<16xi32> to vector<1x16xi32>
      tpu.vector_store %arg6[%swap3A_211, %swap3A_212], %swap3A_215 {strides = array<i32>} : memref<137x128xi32, #tpu.memory_space<vmem>>, vector<1x16xi32>,
      %mul3A_216 = arith.constant 128 : i32
      %mul3A_217 = arith.muli %scan3A_30, %mul3A_216 : i32
      %add3A_218 = arith.constant 112 : i32
      %add3A_219 = arith.addi %mul3A_217, %add3A_218 : i32
      %add3A_220 = vector.broadcast %add3A_219 : i32 to vector<16xi32>
      %add3A_221 = arith.addi %add3A_220, %iota3A : vector<16xi32>
      %lt3A_222 = arith.constant 17464 : i32
      %lt3A_223 = vector.broadcast %lt3A_222 : i32 to vector<16xi32>
      %lt3A_224 = arith.cmpi slt, %add3A_221, %lt3A_223 : vector<16xi32>
      %get3A_225 = arith.index_cast %add3A_219 : i32 to index
      %get3A_226 = tpu.vector_load %arg5[%get3A_225] {strides = array<i32>} : memref<17536xi32, #tpu.memory_space<vmem>>, vector<16xi32>,
      %get3A_227 = vector.shape_cast %get3A_226 : vector<16xi32> to vector<16xi32>
      %add3A_228 = arith.addi %mul3A_2, %add3A_219 : i32
      %add3A_229 = vector.broadcast %add3A_228 : i32 to vector<16xi32>
      %add3A_230 = arith.addi %add3A_229, %iota3A : vector<16xi32>
      %mul3A_231 = arith.constant 81 : i32
      %mul3A_232 = vector.broadcast %mul3A_231 : i32 to vector<16xi32>
      %mul3A_233 = arith.muli %add3A_230, %mul3A_232 : vector<16xi32>
      %add3A_234 = arith.addi %mul3A_233, %get3A_227 : vector<16xi32>
      %jit3A_235 = arith.constant 0 : i32
      %broadcast_in_dim3A_236 = vector.broadcast %jit3A_235 : i32 to vector<16xi32>
      %select_n3A_237 = arith.select %lt3A_224, %add3A_234, %broadcast_in_dim3A_236 : vector<16xi1>, vector<16xi32>
      %swap3A_238 = arith.index_cast %scan3A_30 : i32 to index
      %swap3A_239 = arith.constant 112 : index
      %swap3A_240 = tpu.vector_load %arg6[%swap3A_238, %swap3A_239] {strides = array<i32>} : memref<137x128xi32, #tpu.memory_space<vmem>>, vector<1x16xi32>,
      %swap3A_241 = vector.shape_cast %swap3A_240 : vector<1x16xi32> to vector<16xi32>
      %swap3A_242 = vector.shape_cast %select_n3A_237 : vector<16xi32> to vector<1x16xi32>
      tpu.vector_store %arg6[%swap3A_238, %swap3A_239], %swap3A_242 {strides = array<i32>} : memref<137x128xi32, #tpu.memory_space<vmem>>, vector<1x16xi32>,
    }
    %scan3A_7 = arith.constant 137 : i32
    %scan3A_8 = arith.constant 0 : i32
    %scan3A_9 = arith.constant 0 : i32
    %scan3A_10 = arith.constant 137 : i32
    %scan3A_11 = arith.addi %scan3A_9, %scan3A_10 : i32
    %scan3A_12 = arith.constant 1 : i32
    scf.for %scan3A_30 = %scan3A_9 to %scan3A_11 step %scan3A_12  : i32 {
      %dma_start3A = arith.constant 0 : i32
      %dma_start3A_31 = tpu.memref_slice %arg7[%scan3A_30, %dma_start3A] : memref<137x128xf32, #tpu.memory_space<vmem>> -> memref<1x128xf32, #tpu.memory_space<vmem>>
      %dma_start3A_32 = tpu.memref_squeeze %dma_start3A_31 : memref<1x128xf32, #tpu.memory_space<vmem>> -> memref<128xf32, #tpu.memory_space<vmem>>
      %dma_start3A_33 = arith.constant 0 : i32
      %dma_start3A_34 = tpu.memref_slice %arg6[%scan3A_30, %dma_start3A_33] : memref<137x128xi32, #tpu.memory_space<vmem>> -> memref<1x128xi32, #tpu.memory_space<vmem>>
      %dma_start3A_35 = tpu.memref_squeeze %dma_start3A_34 : memref<1x128xi32, #tpu.memory_space<vmem>> -> memref<128xi32, #tpu.memory_space<vmem>>
      %dma_start3A_36 = arith.constant 0 : i32
      %dma_start3A_37 = tpu.memref_slice %arg3[%dma_start3A_36] : memref<45266688xf32, #tpu.memory_space<hbm>> -> memref<45266688xf32, #tpu.memory_space<hbm>>
      tpu.enqueue_indirect_dma source(%dma_start3A_37 : memref<45266688xf32, #tpu.memory_space<hbm>>) target(%dma_start3A_32 : memref<128xf32, #tpu.memory_space<vmem>>) offsets(%dma_start3A_35 : memref<128xi32, #tpu.memory_space<vmem>>) semaphore(%arg9 : memref<!tpu.dma_semaphore, #tpu.memory_space<semaphore_mem>>)
    }
    %scan3A_13 = arith.constant 137 : i32
    %scan3A_14 = arith.constant 0 : i32
    %scan3A_15 = arith.constant 0 : i32
    %scan3A_16 = arith.constant 137 : i32
    %scan3A_17 = arith.addi %scan3A_15, %scan3A_16 : i32
    %scan3A_18 = arith.constant 1 : i32
    scf.for %scan3A_30 = %scan3A_15 to %scan3A_17 step %scan3A_18  : i32 {
      %dma_wait3A = arith.constant 0 : i32
      %dma_wait3A_31 = tpu.memref_slice %arg7[%scan3A_30, %dma_wait3A] : memref<137x128xf32, #tpu.memory_space<vmem>> -> memref<1x128xf32, #tpu.memory_space<vmem>>
      %dma_wait3A_32 = tpu.memref_squeeze %dma_wait3A_31 : memref<1x128xf32, #tpu.memory_space<vmem>> -> memref<128xf32, #tpu.memory_space<vmem>>
      %dma_wait3A_33 = arith.constant 0 : i32
      %dma_wait3A_34 = tpu.memref_slice %arg6[%scan3A_30, %dma_wait3A_33] : memref<137x128xi32, #tpu.memory_space<vmem>> -> memref<1x128xi32, #tpu.memory_space<vmem>>
      %dma_wait3A_35 = tpu.memref_squeeze %dma_wait3A_34 : memref<1x128xi32, #tpu.memory_space<vmem>> -> memref<128xi32, #tpu.memory_space<vmem>>
      %dma_wait3A_36 = arith.constant 0 : i32
      %dma_wait3A_37 = tpu.memref_slice %arg3[%dma_wait3A_36] : memref<45266688xf32, #tpu.memory_space<hbm>> -> memref<45266688xf32, #tpu.memory_space<hbm>>
      tpu.wait_indirect_dma semaphore(%arg9 : memref<!tpu.dma_semaphore, #tpu.memory_space<semaphore_mem>>) src(%dma_wait3A_37 : memref<45266688xf32, #tpu.memory_space<hbm>>) dst(%dma_wait3A_32 : memref<128xf32, #tpu.memory_space<vmem>>)
    }
    %scan3A_19 = arith.constant 137 : i32
    %broadcast_in_dim3A = arith.constant 0.000000e+00 : f32
    %broadcast_in_dim3A_20 = vector.broadcast %broadcast_in_dim3A : f32 to vector<16xf32>
    %scan3A_21 = arith.constant 0 : i32
    %scan3A_22 = arith.constant 137 : i32
    %scan3A_23 = arith.addi %scan3A_21, %scan3A_22 : i32
    %scan3A_24 = arith.constant 1 : i32
    %scan3A_25 = scf.for %scan3A_30 = %scan3A_21 to %scan3A_23 step %scan3A_24 iter_args(%scan3A_31 = %broadcast_in_dim3A_20) -> (vector<16xf32>)  : i32 {
      %mul3A_32 = arith.constant 128 : i32
      %mul3A_33 = arith.muli %scan3A_30, %mul3A_32 : i32
      %add3A_34 = arith.constant 0 : i32
      %add3A_35 = arith.addi %mul3A_33, %add3A_34 : i32
      %add3A_36 = vector.broadcast %add3A_35 : i32 to vector<16xi32>
      %add3A_37 = arith.addi %add3A_36, %iota3A : vector<16xi32>
      %lt3A = arith.constant 17464 : i32
      %lt3A_38 = vector.broadcast %lt3A : i32 to vector<16xi32>
      %lt3A_39 = arith.cmpi slt, %add3A_37, %lt3A_38 : vector<16xi32>
      %get3A = arith.index_cast %scan3A_30 : i32 to index
      %get3A_40 = arith.constant 0 : index
      %get3A_41 = tpu.vector_load %arg7[%get3A, %get3A_40] {strides = array<i32>} : memref<137x128xf32, #tpu.memory_space<vmem>>, vector<1x16xf32>,
      %get3A_42 = vector.shape_cast %get3A_41 : vector<1x16xf32> to vector<16xf32>
      %jit3A = arith.constant 0.000000e+00 : f32
      %broadcast_in_dim3A_43 = vector.broadcast %jit3A : f32 to vector<16xf32>
      %select_n3A = arith.select %lt3A_39, %get3A_42, %broadcast_in_dim3A_43 : vector<16xi1>, vector<16xf32>
      %add3A_44 = arith.addf %scan3A_31, %select_n3A : vector<16xf32>
      %mul3A_45 = arith.constant 128 : i32
      %mul3A_46 = arith.muli %scan3A_30, %mul3A_45 : i32
      %add3A_47 = arith.constant 16 : i32
      %add3A_48 = arith.addi %mul3A_46, %add3A_47 : i32
      %add3A_49 = vector.broadcast %add3A_48 : i32 to vector<16xi32>
      %add3A_50 = arith.addi %add3A_49, %iota3A : vector<16xi32>
      %lt3A_51 = arith.constant 17464 : i32
      %lt3A_52 = vector.broadcast %lt3A_51 : i32 to vector<16xi32>
      %lt3A_53 = arith.cmpi slt, %add3A_50, %lt3A_52 : vector<16xi32>
      %get3A_54 = arith.index_cast %scan3A_30 : i32 to index
      %get3A_55 = arith.constant 16 : index
      %get3A_56 = tpu.vector_load %arg7[%get3A_54, %get3A_55] {strides = array<i32>} : memref<137x128xf32, #tpu.memory_space<vmem>>, vector<1x16xf32>,
      %get3A_57 = vector.shape_cast %get3A_56 : vector<1x16xf32> to vector<16xf32>
      %jit3A_58 = arith.constant 0.000000e+00 : f32
      %broadcast_in_dim3A_59 = vector.broadcast %jit3A_58 : f32 to vector<16xf32>
      %select_n3A_60 = arith.select %lt3A_53, %get3A_57, %broadcast_in_dim3A_59 : vector<16xi1>, vector<16xf32>
      %add3A_61 = arith.addf %add3A_44, %select_n3A_60 : vector<16xf32>
      %mul3A_62 = arith.constant 128 : i32
      %mul3A_63 = arith.muli %scan3A_30, %mul3A_62 : i32
      %add3A_64 = arith.constant 32 : i32
      %add3A_65 = arith.addi %mul3A_63, %add3A_64 : i32
      %add3A_66 = vector.broadcast %add3A_65 : i32 to vector<16xi32>
      %add3A_67 = arith.addi %add3A_66, %iota3A : vector<16xi32>
      %lt3A_68 = arith.constant 17464 : i32
      %lt3A_69 = vector.broadcast %lt3A_68 : i32 to vector<16xi32>
      %lt3A_70 = arith.cmpi slt, %add3A_67, %lt3A_69 : vector<16xi32>
      %get3A_71 = arith.index_cast %scan3A_30 : i32 to index
      %get3A_72 = arith.constant 32 : index
      %get3A_73 = tpu.vector_load %arg7[%get3A_71, %get3A_72] {strides = array<i32>} : memref<137x128xf32, #tpu.memory_space<vmem>>, vector<1x16xf32>,
      %get3A_74 = vector.shape_cast %get3A_73 : vector<1x16xf32> to vector<16xf32>
      %jit3A_75 = arith.constant 0.000000e+00 : f32
      %broadcast_in_dim3A_76 = vector.broadcast %jit3A_75 : f32 to vector<16xf32>
      %select_n3A_77 = arith.select %lt3A_70, %get3A_74, %broadcast_in_dim3A_76 : vector<16xi1>, vector<16xf32>
      %add3A_78 = arith.addf %add3A_61, %select_n3A_77 : vector<16xf32>
      %mul3A_79 = arith.constant 128 : i32
      %mul3A_80 = arith.muli %scan3A_30, %mul3A_79 : i32
      %add3A_81 = arith.constant 48 : i32
      %add3A_82 = arith.addi %mul3A_80, %add3A_81 : i32
      %add3A_83 = vector.broadcast %add3A_82 : i32 to vector<16xi32>
      %add3A_84 = arith.addi %add3A_83, %iota3A : vector<16xi32>
      %lt3A_85 = arith.constant 17464 : i32
      %lt3A_86 = vector.broadcast %lt3A_85 : i32 to vector<16xi32>
      %lt3A_87 = arith.cmpi slt, %add3A_84, %lt3A_86 : vector<16xi32>
      %get3A_88 = arith.index_cast %scan3A_30 : i32 to index
      %get3A_89 = arith.constant 48 : index
      %get3A_90 = tpu.vector_load %arg7[%get3A_88, %get3A_89] {strides = array<i32>} : memref<137x128xf32, #tpu.memory_space<vmem>>, vector<1x16xf32>,
      %get3A_91 = vector.shape_cast %get3A_90 : vector<1x16xf32> to vector<16xf32>
      %jit3A_92 = arith.constant 0.000000e+00 : f32
      %broadcast_in_dim3A_93 = vector.broadcast %jit3A_92 : f32 to vector<16xf32>
      %select_n3A_94 = arith.select %lt3A_87, %get3A_91, %broadcast_in_dim3A_93 : vector<16xi1>, vector<16xf32>
      %add3A_95 = arith.addf %add3A_78, %select_n3A_94 : vector<16xf32>
      %mul3A_96 = arith.constant 128 : i32
      %mul3A_97 = arith.muli %scan3A_30, %mul3A_96 : i32
      %add3A_98 = arith.constant 64 : i32
      %add3A_99 = arith.addi %mul3A_97, %add3A_98 : i32
      %add3A_100 = vector.broadcast %add3A_99 : i32 to vector<16xi32>
      %add3A_101 = arith.addi %add3A_100, %iota3A : vector<16xi32>
      %lt3A_102 = arith.constant 17464 : i32
      %lt3A_103 = vector.broadcast %lt3A_102 : i32 to vector<16xi32>
      %lt3A_104 = arith.cmpi slt, %add3A_101, %lt3A_103 : vector<16xi32>
      %get3A_105 = arith.index_cast %scan3A_30 : i32 to index
      %get3A_106 = arith.constant 64 : index
      %get3A_107 = tpu.vector_load %arg7[%get3A_105, %get3A_106] {strides = array<i32>} : memref<137x128xf32, #tpu.memory_space<vmem>>, vector<1x16xf32>,
      %get3A_108 = vector.shape_cast %get3A_107 : vector<1x16xf32> to vector<16xf32>
      %jit3A_109 = arith.constant 0.000000e+00 : f32
      %broadcast_in_dim3A_110 = vector.broadcast %jit3A_109 : f32 to vector<16xf32>
      %select_n3A_111 = arith.select %lt3A_104, %get3A_108, %broadcast_in_dim3A_110 : vector<16xi1>, vector<16xf32>
      %add3A_112 = arith.addf %add3A_95, %select_n3A_111 : vector<16xf32>
      %mul3A_113 = arith.constant 128 : i32
      %mul3A_114 = arith.muli %scan3A_30, %mul3A_113 : i32
      %add3A_115 = arith.constant 80 : i32
      %add3A_116 = arith.addi %mul3A_114, %add3A_115 : i32
      %add3A_117 = vector.broadcast %add3A_116 : i32 to vector<16xi32>
      %add3A_118 = arith.addi %add3A_117, %iota3A : vector<16xi32>
      %lt3A_119 = arith.constant 17464 : i32
      %lt3A_120 = vector.broadcast %lt3A_119 : i32 to vector<16xi32>
      %lt3A_121 = arith.cmpi slt, %add3A_118, %lt3A_120 : vector<16xi32>
      %get3A_122 = arith.index_cast %scan3A_30 : i32 to index
      %get3A_123 = arith.constant 80 : index
      %get3A_124 = tpu.vector_load %arg7[%get3A_122, %get3A_123] {strides = array<i32>} : memref<137x128xf32, #tpu.memory_space<vmem>>, vector<1x16xf32>,
      %get3A_125 = vector.shape_cast %get3A_124 : vector<1x16xf32> to vector<16xf32>
      %jit3A_126 = arith.constant 0.000000e+00 : f32
      %broadcast_in_dim3A_127 = vector.broadcast %jit3A_126 : f32 to vector<16xf32>
      %select_n3A_128 = arith.select %lt3A_121, %get3A_125, %broadcast_in_dim3A_127 : vector<16xi1>, vector<16xf32>
      %add3A_129 = arith.addf %add3A_112, %select_n3A_128 : vector<16xf32>
      %mul3A_130 = arith.constant 128 : i32
      %mul3A_131 = arith.muli %scan3A_30, %mul3A_130 : i32
      %add3A_132 = arith.constant 96 : i32
      %add3A_133 = arith.addi %mul3A_131, %add3A_132 : i32
      %add3A_134 = vector.broadcast %add3A_133 : i32 to vector<16xi32>
      %add3A_135 = arith.addi %add3A_134, %iota3A : vector<16xi32>
      %lt3A_136 = arith.constant 17464 : i32
      %lt3A_137 = vector.broadcast %lt3A_136 : i32 to vector<16xi32>
      %lt3A_138 = arith.cmpi slt, %add3A_135, %lt3A_137 : vector<16xi32>
      %get3A_139 = arith.index_cast %scan3A_30 : i32 to index
      %get3A_140 = arith.constant 96 : index
      %get3A_141 = tpu.vector_load %arg7[%get3A_139, %get3A_140] {strides = array<i32>} : memref<137x128xf32, #tpu.memory_space<vmem>>, vector<1x16xf32>,
      %get3A_142 = vector.shape_cast %get3A_141 : vector<1x16xf32> to vector<16xf32>
      %jit3A_143 = arith.constant 0.000000e+00 : f32
      %broadcast_in_dim3A_144 = vector.broadcast %jit3A_143 : f32 to vector<16xf32>
      %select_n3A_145 = arith.select %lt3A_138, %get3A_142, %broadcast_in_dim3A_144 : vector<16xi1>, vector<16xf32>
      %add3A_146 = arith.addf %add3A_129, %select_n3A_145 : vector<16xf32>
      %mul3A_147 = arith.constant 128 : i32
      %mul3A_148 = arith.muli %scan3A_30, %mul3A_147 : i32
      %add3A_149 = arith.constant 112 : i32
      %add3A_150 = arith.addi %mul3A_148, %add3A_149 : i32
      %add3A_151 = vector.broadcast %add3A_150 : i32 to vector<16xi32>
      %add3A_152 = arith.addi %add3A_151, %iota3A : vector<16xi32>
      %lt3A_153 = arith.constant 17464 : i32
      %lt3A_154 = vector.broadcast %lt3A_153 : i32 to vector<16xi32>
      %lt3A_155 = arith.cmpi slt, %add3A_152, %lt3A_154 : vector<16xi32>
      %get3A_156 = arith.index_cast %scan3A_30 : i32 to index
      %get3A_157 = arith.constant 112 : index
      %get3A_158 = tpu.vector_load %arg7[%get3A_156, %get3A_157] {strides = array<i32>} : memref<137x128xf32, #tpu.memory_space<vmem>>, vector<1x16xf32>,
      %get3A_159 = vector.shape_cast %get3A_158 : vector<1x16xf32> to vector<16xf32>
      %jit3A_160 = arith.constant 0.000000e+00 : f32
      %broadcast_in_dim3A_161 = vector.broadcast %jit3A_160 : f32 to vector<16xf32>
      %select_n3A_162 = arith.select %lt3A_155, %get3A_159, %broadcast_in_dim3A_161 : vector<16xi1>, vector<16xf32>
      %add3A_163 = arith.addf %add3A_146, %select_n3A_162 : vector<16xf32>
      scf.yield %add3A_163 : vector<16xf32>
    }
    %scan3A_26 = arith.constant 137 : i32
    %swap3A = arith.constant 0 : index
    %swap3A_27 = tpu.vector_load %arg8[%swap3A] {strides = array<i32>} : memref<16xf32, #tpu.memory_space<vmem>>, vector<16xf32>,
    %swap3A_28 = vector.shape_cast %swap3A_27 : vector<16xf32> to vector<16xf32>
    %swap3A_29 = vector.shape_cast %scan3A_25 : vector<16xf32> to vector<16xf32>
    tpu.vector_store %arg8[%swap3A], %swap3A_29 {strides = array<i32>} : memref<16xf32, #tpu.memory_space<vmem>>, vector<16xf32>,
    "tpu.region"() ({
      %run_scoped3A = tpu.sem_alloc : memref<!tpu.dma_semaphore, #tpu.memory_space<semaphore_mem>>
      %dma_start3A = arith.constant 0 : i32
      %dma_start3A_30 = tpu.memref_slice %arg4[%add3A, %dma_start3A] : memref<32x16xf32, #tpu.memory_space<hbm>> -> memref<1x16xf32, #tpu.memory_space<hbm>>
      %dma_start3A_31 = tpu.memref_squeeze %dma_start3A_30 : memref<1x16xf32, #tpu.memory_space<hbm>> -> memref<16xf32, #tpu.memory_space<hbm>>
      %dma_start3A_32 = arith.constant 0 : i32
      %dma_start3A_33 = tpu.memref_slice %arg4[%add3A, %dma_start3A_32] : memref<32x16xf32, #tpu.memory_space<hbm>> -> memref<1x16xf32, #tpu.memory_space<hbm>>
      %dma_start3A_34 = tpu.memref_squeeze %dma_start3A_33 : memref<1x16xf32, #tpu.memory_space<hbm>> -> memref<16xf32, #tpu.memory_space<hbm>>
      tpu.enqueue_dma source(%arg8 : memref<16xf32, #tpu.memory_space<vmem>>) target(%dma_start3A_34 : memref<16xf32, #tpu.memory_space<hbm>>) target_semaphore(%run_scoped3A : memref<!tpu.dma_semaphore, #tpu.memory_space<semaphore_mem>>)
      %dma_wait3A = arith.constant 0 : i32
      %dma_wait3A_35 = tpu.memref_slice %arg4[%add3A, %dma_wait3A] : memref<32x16xf32, #tpu.memory_space<hbm>> -> memref<1x16xf32, #tpu.memory_space<hbm>>
      %dma_wait3A_36 = tpu.memref_squeeze %dma_wait3A_35 : memref<1x16xf32, #tpu.memory_space<hbm>> -> memref<16xf32, #tpu.memory_space<hbm>>
      %dma_wait3A_37 = arith.constant 0 : i32
      %dma_wait3A_38 = tpu.memref_slice %arg4[%add3A, %dma_wait3A_37] : memref<32x16xf32, #tpu.memory_space<hbm>> -> memref<1x16xf32, #tpu.memory_space<hbm>>
      %dma_wait3A_39 = tpu.memref_squeeze %dma_wait3A_38 : memref<1x16xf32, #tpu.memory_space<hbm>> -> memref<16xf32, #tpu.memory_space<hbm>>
      tpu.wait_dma2 semaphore(%run_scoped3A : memref<!tpu.dma_semaphore, #tpu.memory_space<semaphore_mem>>) src(%arg8 : memref<16xf32, #tpu.memory_space<vmem>>) dst(%dma_wait3A_39 : memref<16xf32, #tpu.memory_space<hbm>>)
      tpu.yield
    }) : () -> ()
    return
  }
}

module attributes {stable_mosaic.version = 14 : i64} {
  func.func @_row_pass(%arg0: i32, %arg1: memref<1x8732x81xf32, #tpu.memory_space<vmem>>, %arg2: memref<1x1x8732xi32, #tpu.memory_space<vmem>>, %arg3: memref<1x273x128xf32, #tpu.memory_space<vmem>>, %arg4: memref<1x273x128xf32, #tpu.memory_space<vmem>>, %arg5: memref<1x273x128xf32, #tpu.memory_space<vmem>>, %arg6: memref<1x1x8732xf32, #tpu.memory_space<vmem>>, %arg7: memref<1x1x128xf32, #tpu.memory_space<vmem>>) attributes {dimension_semantics = [#tpu.dimension_semantics<arbitrary>], iteration_bounds = array<i64: 64>, scalar_prefetch = 0 : i64, scratch_operands = 0 : i64, tpu.core_type = #tpu.core_type<tc>, window_params = [{transform_indices = @transform_0, window_bounds = array<i64: 1, 8732, 81>}, {transform_indices = @transform_1, window_bounds = array<i64: 1, 1, 8732>}, {transform_indices = @transform_2, window_bounds = array<i64: 1, 273, 128>}, {transform_indices = @transform_3, window_bounds = array<i64: 1, 273, 128>}, {transform_indices = @transform_4, window_bounds = array<i64: 1, 273, 128>}, {transform_indices = @transform_5, window_bounds = array<i64: 1, 1, 8732>}, {transform_indices = @transform_6, window_bounds = array<i64: 1, 1, 128>}]} {
    %get3A = arith.constant 0 : index
    %get3A_0 = arith.constant 0 : index
    %get3A_1 = arith.constant 0 : index
    %get3A_2 = vector.load %arg1[%get3A, %get3A_0, %get3A_1] : memref<1x8732x81xf32, #tpu.memory_space<vmem>>, vector<1x8732x81xf32>
    %get3A_3 = vector.shape_cast %get3A_2 : vector<1x8732x81xf32> to vector<8732x81xf32>
    %exp3A = math.exp %get3A_3 : vector<8732x81xf32>
    %reduce_sum3A = arith.constant dense<0.000000e+00> : vector<8732xf32>
    %reduce_sum3A_4 = vector.multi_reduction <add>, %exp3A, %reduce_sum3A [1] : vector<8732x81xf32> to vector<8732xf32>
    %log3A = math.log %reduce_sum3A_4 : vector<8732xf32>
    %slice3A = vector.extract_strided_slice %get3A_3 {offsets = [0, 0], sizes = [8732, 1], strides = [1, 1]} : vector<8732x81xf32> to vector<8732x1xf32>
    %squeeze3A = vector.shape_cast %slice3A : vector<8732x1xf32> to vector<8732xf32>
    %get3A_5 = arith.constant 0 : index
    %get3A_6 = arith.constant 0 : index
    %get3A_7 = arith.constant 0 : index
    %get3A_8 = vector.load %arg2[%get3A_5, %get3A_6, %get3A_7] : memref<1x1x8732xi32, #tpu.memory_space<vmem>>, vector<1x1x8732xi32>
    %get3A_9 = vector.shape_cast %get3A_8 : vector<1x1x8732xi32> to vector<8732xi32>
    %gt3A = arith.constant 0 : i32
    %gt3A_10 = vector.broadcast %gt3A : i32 to vector<8732xi32>
    %gt3A_11 = arith.cmpi sgt, %get3A_9, %gt3A_10 : vector<8732xi32>
    %convert_element_type3A = arith.extui %gt3A_11 : vector<8732xi1> to vector<8732xi32>
    %convert_element_type3A_12 = arith.sitofp %convert_element_type3A : vector<8732xi32> to vector<8732xf32>
    %reduce_sum3A_13 = vector.shape_cast %convert_element_type3A_12 : vector<8732xf32> to vector<1x8732xf32>
    %reduce_sum3A_14 = arith.constant dense<0.000000e+00> : vector<1xf32>
    %reduce_sum3A_15 = vector.multi_reduction <add>, %reduce_sum3A_13, %reduce_sum3A_14 [1] : vector<1x8732xf32> to vector<1xf32>
    %reduce_sum3A_16 = vector.shape_cast %reduce_sum3A_15 : vector<1xf32> to vector<1x1xf32>
    %reduce_sum3A_17 = vector.extract %reduce_sum3A_16[0, 0] : f32 from vector<1x1xf32>
    %jit3A = arith.constant 0.000000e+00 : f32
    %broadcast_in_dim3A = vector.broadcast %jit3A : f32 to vector<8732xf32>
    %select_n3A = arith.select %gt3A_11, %log3A, %broadcast_in_dim3A : vector<8732xi1>, vector<8732xf32>
    %reduce_sum3A_18 = vector.shape_cast %select_n3A : vector<8732xf32> to vector<1x8732xf32>
    %reduce_sum3A_19 = arith.constant dense<0.000000e+00> : vector<1xf32>
    %reduce_sum3A_20 = vector.multi_reduction <add>, %reduce_sum3A_18, %reduce_sum3A_19 [1] : vector<1x8732xf32> to vector<1xf32>
    %reduce_sum3A_21 = vector.shape_cast %reduce_sum3A_20 : vector<1xf32> to vector<1x1xf32>
    %reduce_sum3A_22 = vector.extract %reduce_sum3A_21[0, 0] : f32 from vector<1x1xf32>
    %jit3A_23 = arith.constant 0.000000e+00 : f32
    %broadcast_in_dim3A_24 = vector.broadcast %jit3A_23 : f32 to vector<8732xf32>
    %select_n3A_25 = arith.select %gt3A_11, %broadcast_in_dim3A_24, %squeeze3A : vector<8732xi1>, vector<8732xf32>
    %reduce_sum3A_26 = vector.shape_cast %select_n3A_25 : vector<8732xf32> to vector<1x8732xf32>
    %reduce_sum3A_27 = arith.constant dense<0.000000e+00> : vector<1xf32>
    %reduce_sum3A_28 = vector.multi_reduction <add>, %reduce_sum3A_26, %reduce_sum3A_27 [1] : vector<1x8732xf32> to vector<1xf32>
    %reduce_sum3A_29 = vector.shape_cast %reduce_sum3A_28 : vector<1xf32> to vector<1x1xf32>
    %reduce_sum3A_30 = vector.extract %reduce_sum3A_29[0, 0] : f32 from vector<1x1xf32>
    %sub3A = arith.subf %log3A, %squeeze3A : vector<8732xf32>
    %jit3A_31 = arith.constant 0xFF800000 : f32
    %broadcast_in_dim3A_32 = vector.broadcast %jit3A_31 : f32 to vector<8732xf32>
    %select_n3A_33 = arith.select %gt3A_11, %broadcast_in_dim3A_32, %sub3A : vector<8732xi1>, vector<8732xf32>
    %get3A_34 = arith.constant 0 : index
    %get3A_35 = arith.constant 0 : index
    %get3A_36 = arith.constant 0 : index
    %get3A_37 = vector.load %arg3[%get3A_34, %get3A_35, %get3A_36] : memref<1x273x128xf32, #tpu.memory_space<vmem>>, vector<1x273x128xf32>
    %get3A_38 = vector.shape_cast %get3A_37 : vector<1x273x128xf32> to vector<273x128xf32>
    %get3A_39 = arith.constant 0 : index
    %get3A_40 = arith.constant 0 : index
    %get3A_41 = arith.constant 0 : index
    %get3A_42 = vector.load %arg4[%get3A_39, %get3A_40, %get3A_41] : memref<1x273x128xf32, #tpu.memory_space<vmem>>, vector<1x273x128xf32>
    %get3A_43 = vector.shape_cast %get3A_42 : vector<1x273x128xf32> to vector<273x128xf32>
    %get3A_44 = arith.constant 0 : index
    %get3A_45 = arith.constant 0 : index
    %get3A_46 = arith.constant 0 : index
    %get3A_47 = vector.load %arg5[%get3A_44, %get3A_45, %get3A_46] : memref<1x273x128xf32, #tpu.memory_space<vmem>>, vector<1x273x128xf32>
    %get3A_48 = vector.shape_cast %get3A_47 : vector<1x273x128xf32> to vector<273x128xf32>
    %sub3A_49 = arith.subf %get3A_38, %get3A_43 : vector<273x128xf32>
    %abs3A = math.absf %sub3A_49 : vector<273x128xf32>
    %lt3A = arith.constant 1.000000e+00 : f32
    %lt3A_50 = vector.broadcast %lt3A : f32 to vector<273x128xf32>
    %lt3A_51 = arith.cmpf olt, %abs3A, %lt3A_50 : vector<273x128xf32>
    %mul3A = arith.constant 5.000000e-01 : f32
    %mul3A_52 = vector.broadcast %mul3A : f32 to vector<273x128xf32>
    %mul3A_53 = arith.mulf %mul3A_52, %abs3A : vector<273x128xf32>
    %mul3A_54 = arith.mulf %mul3A_53, %abs3A : vector<273x128xf32>
    %sub3A_55 = arith.constant 5.000000e-01 : f32
    %sub3A_56 = vector.broadcast %sub3A_55 : f32 to vector<273x128xf32>
    %sub3A_57 = arith.subf %abs3A, %sub3A_56 : vector<273x128xf32>
    %select_n3A_58 = arith.select %lt3A_51, %mul3A_54, %sub3A_57 : vector<273x128xi1>, vector<273x128xf32>
    %mul3A_59 = arith.mulf %select_n3A_58, %get3A_48 : vector<273x128xf32>
    %reduce_sum3A_60 = vector.shape_cast %mul3A_59 : vector<273x128xf32> to vector<1x273x128xf32>
    %reduce_sum3A_61 = arith.constant dense<0.000000e+00> : vector<1xf32>
    %reduce_sum3A_62 = vector.multi_reduction <add>, %reduce_sum3A_60, %reduce_sum3A_61 [1, 2] : vector<1x273x128xf32> to vector<1xf32>
    %reduce_sum3A_63 = vector.shape_cast %reduce_sum3A_62 : vector<1xf32> to vector<1x1x1xf32>
    %reduce_sum3A_64 = vector.extract %reduce_sum3A_63[0, 0, 0] : f32 from vector<1x1x1xf32>
    %swap3A = arith.constant 0 : index
    %swap3A_65 = arith.constant 0 : index
    %swap3A_66 = arith.constant 0 : index
    %swap3A_67 = vector.load %arg6[%swap3A, %swap3A_65, %swap3A_66] : memref<1x1x8732xf32, #tpu.memory_space<vmem>>, vector<1x1x8732xf32>
    %swap3A_68 = vector.shape_cast %swap3A_67 : vector<1x1x8732xf32> to vector<8732xf32>
    %swap3A_69 = vector.shape_cast %select_n3A_33 : vector<8732xf32> to vector<1x1x8732xf32>
    tpu.vector_store %arg6[%swap3A, %swap3A_65, %swap3A_66], %swap3A_69 {strides = array<i32>} : memref<1x1x8732xf32, #tpu.memory_space<vmem>>, vector<1x1x8732xf32>,
    %iota3A = tpu.iota {dimensions = array<i32: 1>} : vector<1x128xi32>
    %iota3A_70 = vector.shape_cast %iota3A : vector<1x128xi32> to vector<128xi32>
    %eq3A = arith.constant 0 : i32
    %eq3A_71 = vector.broadcast %eq3A : i32 to vector<128xi32>
    %eq3A_72 = arith.cmpi eq, %iota3A_70, %eq3A_71 : vector<128xi32>
    %eq3A_73 = arith.constant 1 : i32
    %eq3A_74 = vector.broadcast %eq3A_73 : i32 to vector<128xi32>
    %eq3A_75 = arith.cmpi eq, %iota3A_70, %eq3A_74 : vector<128xi32>
    %eq3A_76 = arith.constant 2 : i32
    %eq3A_77 = vector.broadcast %eq3A_76 : i32 to vector<128xi32>
    %eq3A_78 = arith.cmpi eq, %iota3A_70, %eq3A_77 : vector<128xi32>
    %eq3A_79 = arith.constant 3 : i32
    %eq3A_80 = vector.broadcast %eq3A_79 : i32 to vector<128xi32>
    %eq3A_81 = arith.cmpi eq, %iota3A_70, %eq3A_80 : vector<128xi32>
    %jit3A_82 = arith.constant 0.000000e+00 : f32
    %broadcast_in_dim3A_83 = vector.broadcast %reduce_sum3A_30 : f32 to vector<128xf32>
    %broadcast_in_dim3A_84 = vector.broadcast %jit3A_82 : f32 to vector<128xf32>
    %select_n3A_85 = arith.select %eq3A_81, %broadcast_in_dim3A_83, %broadcast_in_dim3A_84 : vector<128xi1>, vector<128xf32>
    %broadcast_in_dim3A_86 = vector.broadcast %reduce_sum3A_64 : f32 to vector<128xf32>
    %select_n3A_87 = arith.select %eq3A_78, %broadcast_in_dim3A_86, %select_n3A_85 : vector<128xi1>, vector<128xf32>
    %broadcast_in_dim3A_88 = vector.broadcast %reduce_sum3A_22 : f32 to vector<128xf32>
    %select_n3A_89 = arith.select %eq3A_75, %broadcast_in_dim3A_88, %select_n3A_87 : vector<128xi1>, vector<128xf32>
    %broadcast_in_dim3A_90 = vector.broadcast %reduce_sum3A_17 : f32 to vector<128xf32>
    %select_n3A_91 = arith.select %eq3A_72, %broadcast_in_dim3A_90, %select_n3A_89 : vector<128xi1>, vector<128xf32>
    %swap3A_92 = arith.constant 0 : index
    %swap3A_93 = arith.constant 0 : index
    %swap3A_94 = arith.constant 0 : index
    %swap3A_95 = vector.load %arg7[%swap3A_92, %swap3A_93, %swap3A_94] : memref<1x1x128xf32, #tpu.memory_space<vmem>>, vector<1x1x128xf32>
    %swap3A_96 = vector.shape_cast %swap3A_95 : vector<1x1x128xf32> to vector<128xf32>
    %swap3A_97 = vector.shape_cast %select_n3A_91 : vector<128xf32> to vector<1x1x128xf32>
    tpu.vector_store %arg7[%swap3A_92, %swap3A_93, %swap3A_94], %swap3A_97 {strides = array<i32>} : memref<1x1x128xf32, #tpu.memory_space<vmem>>, vector<1x1x128xf32>,
    return
  }
  func.func @transform_0(%arg0: i32) -> (i32, i32, i32) {
    %c0_i32 = arith.constant 0 : i32
    %c0_i32_0 = arith.constant 0 : i32
    %c0_i32_1 = arith.constant 0 : i32
    return %arg0, %c0_i32, %c0_i32_0 : i32, i32, i32
  }
  func.func @transform_1(%arg0: i32) -> (i32, i32, i32) {
    %c0_i32 = arith.constant 0 : i32
    %c0_i32_0 = arith.constant 0 : i32
    %c0_i32_1 = arith.constant 0 : i32
    return %arg0, %c0_i32, %c0_i32_0 : i32, i32, i32
  }
  func.func @transform_2(%arg0: i32) -> (i32, i32, i32) {
    %c0_i32 = arith.constant 0 : i32
    %c0_i32_0 = arith.constant 0 : i32
    %c0_i32_1 = arith.constant 0 : i32
    return %arg0, %c0_i32, %c0_i32_0 : i32, i32, i32
  }
  func.func @transform_3(%arg0: i32) -> (i32, i32, i32) {
    %c0_i32 = arith.constant 0 : i32
    %c0_i32_0 = arith.constant 0 : i32
    %c0_i32_1 = arith.constant 0 : i32
    return %arg0, %c0_i32, %c0_i32_0 : i32, i32, i32
  }
  func.func @transform_4(%arg0: i32) -> (i32, i32, i32) {
    %c0_i32 = arith.constant 0 : i32
    %c0_i32_0 = arith.constant 0 : i32
    %c0_i32_1 = arith.constant 0 : i32
    return %arg0, %c0_i32, %c0_i32_0 : i32, i32, i32
  }
  func.func @transform_5(%arg0: i32) -> (i32, i32, i32) {
    %c0_i32 = arith.constant 0 : i32
    %c0_i32_0 = arith.constant 0 : i32
    %c0_i32_1 = arith.constant 0 : i32
    return %arg0, %c0_i32, %c0_i32_0 : i32, i32, i32
  }
  func.func @transform_6(%arg0: i32) -> (i32, i32, i32) {
    %c0_i32 = arith.constant 0 : i32
    %c0_i32_0 = arith.constant 0 : i32
    %c0_i32_1 = arith.constant 0 : i32
    return %arg0, %c0_i32, %c0_i32_0 : i32, i32, i32
  }
}

module attributes {stable_mosaic.version = 14 : i64} {
  func.func @_select(%arg0: memref<64x8732xf32, #tpu.memory_space<vmem>>, %arg1: memref<64x128xf32, #tpu.memory_space<vmem>>, %arg2: memref<4x128xf32, #tpu.memory_space<vmem>>, %arg3: memref<1x1xi32, #tpu.memory_space<vmem>>, %arg4: memref<1x128xf32, #tpu.memory_space<vmem>>) attributes {dimension_semantics = [], scalar_prefetch = 0 : i64, scratch_operands = 0 : i64, tpu.core_type = #tpu.core_type<tc>} {
    %get3A = arith.constant 0 : index
    %get3A_0 = arith.constant 0 : index
    %get3A_1 = vector.load %arg0[%get3A, %get3A_0] : memref<64x8732xf32, #tpu.memory_space<vmem>>, vector<64x8732xf32>
    %bitcast_convert_type3A = tpu.bitcast %get3A_1 : vector<64x8732xf32> -> vector<64x8732xi32>
    %shift_right_arithmetic3A = arith.constant 31 : i32
    %shift_right_arithmetic3A_2 = vector.broadcast %shift_right_arithmetic3A : i32 to vector<64x8732xi32>
    %shift_right_arithmetic3A_3 = arith.shrsi %bitcast_convert_type3A, %shift_right_arithmetic3A_2 : vector<64x8732xi32>
    %and3A = arith.constant 2147483647 : i32
    %and3A_4 = vector.broadcast %and3A : i32 to vector<64x8732xi32>
    %and3A_5 = arith.andi %and3A_4, %shift_right_arithmetic3A_3 : vector<64x8732xi32>
    %xor3A = arith.xori %bitcast_convert_type3A, %and3A_5 : vector<64x8732xi32>
    %get3A_6 = arith.constant 0 : index
    %get3A_7 = arith.constant 0 : index
    %get3A_8 = vector.load %arg1[%get3A_6, %get3A_7] : memref<64x128xf32, #tpu.memory_space<vmem>>, vector<64x128xf32>
    %slice3A = vector.extract_strided_slice %get3A_8 {offsets = [0, 0], sizes = [64, 1], strides = [1, 1]} : vector<64x128xf32> to vector<64x1xf32>
    %slice3A_9 = vector.extract_strided_slice %get3A_8 {offsets = [0, 1], sizes = [64, 1], strides = [1, 1]} : vector<64x128xf32> to vector<64x1xf32>
    %slice3A_10 = vector.extract_strided_slice %get3A_8 {offsets = [0, 2], sizes = [64, 1], strides = [1, 1]} : vector<64x128xf32> to vector<64x1xf32>
    %slice3A_11 = vector.extract_strided_slice %get3A_8 {offsets = [0, 3], sizes = [64, 1], strides = [1, 1]} : vector<64x128xf32> to vector<64x1xf32>
    %get3A_12 = arith.constant 0 : index
    %get3A_13 = arith.constant 0 : index
    %get3A_14 = vector.load %arg2[%get3A_12, %get3A_13] : memref<4x128xf32, #tpu.memory_space<vmem>>, vector<4x128xf32>
    %reduce_sum3A = vector.shape_cast %get3A_14 : vector<4x128xf32> to vector<1x4x128xf32>
    %reduce_sum3A_15 = arith.constant dense<0.000000e+00> : vector<1xf32>
    %reduce_sum3A_16 = vector.multi_reduction <add>, %reduce_sum3A, %reduce_sum3A_15 [1, 2] : vector<1x4x128xf32> to vector<1xf32>
    %reduce_sum3A_17 = vector.shape_cast %reduce_sum3A_16 : vector<1xf32> to vector<1x1x1xf32>
    %reduce_sum3A_18 = vector.extract %reduce_sum3A_17[0, 0, 0] : f32 from vector<1x1x1xf32>
    %get3A_19 = arith.constant 0 : index
    %get3A_20 = arith.constant 0 : index
    %get3A_21 = vector.load %arg3[%get3A_19, %get3A_20] : memref<1x1xi32, #tpu.memory_space<vmem>>, vector<1x1xi32>
    %get3A_22 = vector.extract %get3A_21[0, 0] : i32 from vector<1x1xi32>
    %convert_element_type3A = arith.fptosi %slice3A : vector<64x1xf32> to vector<64x1xi32>
    %sub3A = arith.constant 8732 : i32
    %sub3A_23 = vector.broadcast %sub3A : i32 to vector<64x1xi32>
    %sub3A_24 = arith.subi %sub3A_23, %convert_element_type3A : vector<64x1xi32>
    %mul3A = vector.broadcast %get3A_22 : i32 to vector<64x1xi32>
    %mul3A_25 = arith.muli %mul3A, %convert_element_type3A : vector<64x1xi32>
    %min3A = arith.minsi %mul3A_25, %sub3A_24 : vector<64x1xi32>
    %broadcast_in_dim3A = arith.constant -2147483648 : i32
    %broadcast_in_dim3A_26 = vector.broadcast %broadcast_in_dim3A : i32 to vector<64x1xi32>
    %broadcast_in_dim3A_27 = arith.constant 2147483647 : i32
    %broadcast_in_dim3A_28 = vector.broadcast %broadcast_in_dim3A_27 : i32 to vector<64x1xi32>
    %scan3A = arith.constant 0 : i32
    %scan3A_29 = arith.constant 32 : i32
    %scan3A_30 = arith.addi %scan3A, %scan3A_29 : i32
    %scan3A_31 = arith.constant 1 : i32
    %scan3A_32:2 = scf.for %scan3A_106 = %scan3A to %scan3A_30 step %scan3A_31 iter_args(%scan3A_107 = %broadcast_in_dim3A_26, %scan3A_108 = %broadcast_in_dim3A_28) -> (vector<64x1xi32>, vector<64x1xi32>)  : i32 {
      %xor3A_109 = arith.xori %scan3A_107, %scan3A_108 : vector<64x1xi32>
      %and3A_110 = arith.andi %scan3A_107, %scan3A_108 : vector<64x1xi32>
      %shift_right_arithmetic3A_111 = arith.constant 1 : i32
      %shift_right_arithmetic3A_112 = vector.broadcast %shift_right_arithmetic3A_111 : i32 to vector<64x1xi32>
      %shift_right_arithmetic3A_113 = arith.shrsi %xor3A_109, %shift_right_arithmetic3A_112 : vector<64x1xi32>
      %add3A_114 = arith.addi %and3A_110, %shift_right_arithmetic3A_113 : vector<64x1xi32>
      %and3A_115 = arith.constant 1 : i32
      %and3A_116 = vector.broadcast %and3A_115 : i32 to vector<64x1xi32>
      %and3A_117 = arith.andi %xor3A_109, %and3A_116 : vector<64x1xi32>
      %add3A_118 = arith.addi %add3A_114, %and3A_117 : vector<64x1xi32>
      %ge3A = vector.broadcast %add3A_118 : vector<64x1xi32> to vector<64x8732xi32>
      %ge3A_119 = arith.cmpi sge, %xor3A, %ge3A : vector<64x8732xi32>
      %convert_element_type3A_120 = arith.extui %ge3A_119 : vector<64x8732xi1> to vector<64x8732xi32>
      %reduce_sum3A_121 = arith.constant dense<0> : vector<64xi32>
      %reduce_sum3A_122 = vector.multi_reduction <add>, %convert_element_type3A_120, %reduce_sum3A_121 [1] : vector<64x8732xi32> to vector<64xi32>
      %broadcast_in_dim3A_123 = vector.shape_cast %reduce_sum3A_122 : vector<64xi32> to vector<64x1xi32>
      %ge3A_124 = arith.cmpi sge, %broadcast_in_dim3A_123, %min3A : vector<64x1xi32>
      %select_n3A_125 = arith.select %ge3A_124, %add3A_118, %scan3A_107 : vector<64x1xi1>, vector<64x1xi32>
      %sub3A_126 = arith.constant 1 : i32
      %sub3A_127 = vector.broadcast %sub3A_126 : i32 to vector<64x1xi32>
      %sub3A_128 = arith.subi %add3A_118, %sub3A_127 : vector<64x1xi32>
      %select_n3A_129 = arith.select %ge3A_124, %scan3A_108, %sub3A_128 : vector<64x1xi1>, vector<64x1xi32>
      scf.yield %select_n3A_125, %select_n3A_129 : vector<64x1xi32>, vector<64x1xi32>
    }
    %shift_right_arithmetic3A_33 = arith.constant 31 : i32
    %shift_right_arithmetic3A_34 = vector.broadcast %shift_right_arithmetic3A_33 : i32 to vector<64x1xi32>
    %shift_right_arithmetic3A_35 = arith.shrsi %scan3A_32#0, %shift_right_arithmetic3A_34 : vector<64x1xi32>
    %and3A_36 = arith.constant 2147483647 : i32
    %and3A_37 = vector.broadcast %and3A_36 : i32 to vector<64x1xi32>
    %and3A_38 = arith.andi %and3A_37, %shift_right_arithmetic3A_35 : vector<64x1xi32>
    %xor3A_39 = arith.xori %scan3A_32#0, %and3A_38 : vector<64x1xi32>
    %bitcast_convert_type3A_40 = tpu.bitcast %xor3A_39 : vector<64x1xi32> -> vector<64x1xf32>
    %gt3A = vector.broadcast %scan3A_32#0 : vector<64x1xi32> to vector<64x8732xi32>
    %gt3A_41 = arith.cmpi sgt, %xor3A, %gt3A : vector<64x8732xi32>
    %convert_element_type3A_42 = arith.extui %gt3A_41 : vector<64x8732xi1> to vector<64x8732xi32>
    %reduce_sum3A_43 = arith.constant dense<0> : vector<64xi32>
    %reduce_sum3A_44 = vector.multi_reduction <add>, %convert_element_type3A_42, %reduce_sum3A_43 [1] : vector<64x8732xi32> to vector<64xi32>
    %broadcast_in_dim3A_45 = vector.shape_cast %reduce_sum3A_44 : vector<64xi32> to vector<64x1xi32>
    %jit3A = arith.constant 0.000000e+00 : f32
    %broadcast_in_dim3A_46 = vector.broadcast %jit3A : f32 to vector<64x8732xf32>
    %select_n3A = arith.select %gt3A_41, %get3A_1, %broadcast_in_dim3A_46 : vector<64x8732xi1>, vector<64x8732xf32>
    %reduce_sum3A_47 = arith.constant dense<0.000000e+00> : vector<64xf32>
    %reduce_sum3A_48 = vector.multi_reduction <add>, %select_n3A, %reduce_sum3A_47 [1] : vector<64x8732xf32> to vector<64xf32>
    %broadcast_in_dim3A_49 = vector.shape_cast %reduce_sum3A_48 : vector<64xf32> to vector<64x1xf32>
    %gt3A_50 = arith.constant 0 : i32
    %gt3A_51 = vector.broadcast %gt3A_50 : i32 to vector<64x1xi32>
    %gt3A_52 = arith.cmpi sgt, %min3A, %gt3A_51 : vector<64x1xi32>
    %sub3A_53 = arith.subi %min3A, %broadcast_in_dim3A_45 : vector<64x1xi32>
    %convert_element_type3A_54 = arith.sitofp %sub3A_53 : vector<64x1xi32> to vector<64x1xf32>
    %mul3A_55 = arith.mulf %convert_element_type3A_54, %bitcast_convert_type3A_40 : vector<64x1xf32>
    %add3A = arith.addf %broadcast_in_dim3A_49, %mul3A_55 : vector<64x1xf32>
    %jit3A_56 = arith.constant 0.000000e+00 : f32
    %broadcast_in_dim3A_57 = vector.broadcast %jit3A_56 : f32 to vector<64x1xf32>
    %select_n3A_58 = arith.select %gt3A_52, %add3A, %broadcast_in_dim3A_57 : vector<64x1xi1>, vector<64x1xf32>
    %reduce_sum3A_59 = vector.shape_cast %slice3A_9 : vector<64x1xf32> to vector<1x64x1xf32>
    %reduce_sum3A_60 = arith.constant dense<0.000000e+00> : vector<1xf32>
    %reduce_sum3A_61 = vector.multi_reduction <add>, %reduce_sum3A_59, %reduce_sum3A_60 [1, 2] : vector<1x64x1xf32> to vector<1xf32>
    %reduce_sum3A_62 = vector.shape_cast %reduce_sum3A_61 : vector<1xf32> to vector<1x1x1xf32>
    %reduce_sum3A_63 = vector.extract %reduce_sum3A_62[0, 0, 0] : f32 from vector<1x1x1xf32>
    %sub3A_64 = arith.subf %reduce_sum3A_63, %reduce_sum3A_18 : f32
    %reduce_sum3A_65 = vector.shape_cast %slice3A_11 : vector<64x1xf32> to vector<1x64x1xf32>
    %reduce_sum3A_66 = arith.constant dense<0.000000e+00> : vector<1xf32>
    %reduce_sum3A_67 = vector.multi_reduction <add>, %reduce_sum3A_65, %reduce_sum3A_66 [1, 2] : vector<1x64x1xf32> to vector<1xf32>
    %reduce_sum3A_68 = vector.shape_cast %reduce_sum3A_67 : vector<1xf32> to vector<1x1x1xf32>
    %reduce_sum3A_69 = vector.extract %reduce_sum3A_68[0, 0, 0] : f32 from vector<1x1x1xf32>
    %add3A_70 = arith.addf %sub3A_64, %reduce_sum3A_69 : f32
    %reduce_sum3A_71 = vector.shape_cast %select_n3A_58 : vector<64x1xf32> to vector<1x64x1xf32>
    %reduce_sum3A_72 = arith.constant dense<0.000000e+00> : vector<1xf32>
    %reduce_sum3A_73 = vector.multi_reduction <add>, %reduce_sum3A_71, %reduce_sum3A_72 [1, 2] : vector<1x64x1xf32> to vector<1xf32>
    %reduce_sum3A_74 = vector.shape_cast %reduce_sum3A_73 : vector<1xf32> to vector<1x1x1xf32>
    %reduce_sum3A_75 = vector.extract %reduce_sum3A_74[0, 0, 0] : f32 from vector<1x1x1xf32>
    %add3A_76 = arith.addf %add3A_70, %reduce_sum3A_75 : f32
    %reduce_sum3A_77 = vector.shape_cast %slice3A_10 : vector<64x1xf32> to vector<1x64x1xf32>
    %reduce_sum3A_78 = arith.constant dense<0.000000e+00> : vector<1xf32>
    %reduce_sum3A_79 = vector.multi_reduction <add>, %reduce_sum3A_77, %reduce_sum3A_78 [1, 2] : vector<1x64x1xf32> to vector<1xf32>
    %reduce_sum3A_80 = vector.shape_cast %reduce_sum3A_79 : vector<1xf32> to vector<1x1x1xf32>
    %reduce_sum3A_81 = vector.extract %reduce_sum3A_80[0, 0, 0] : f32 from vector<1x1x1xf32>
    %reduce_sum3A_82 = vector.shape_cast %slice3A : vector<64x1xf32> to vector<1x64x1xf32>
    %reduce_sum3A_83 = arith.constant dense<0.000000e+00> : vector<1xf32>
    %reduce_sum3A_84 = vector.multi_reduction <add>, %reduce_sum3A_82, %reduce_sum3A_83 [1, 2] : vector<1x64x1xf32> to vector<1xf32>
    %reduce_sum3A_85 = vector.shape_cast %reduce_sum3A_84 : vector<1xf32> to vector<1x1x1xf32>
    %reduce_sum3A_86 = vector.extract %reduce_sum3A_85[0, 0, 0] : f32 from vector<1x1x1xf32>
    %add3A_87 = arith.constant 1.000000e-07 : f32
    %add3A_88 = arith.addf %reduce_sum3A_86, %add3A_87 : f32
    %iota3A = tpu.iota {dimensions = array<i32: 1>} : vector<1x128xi32>
    %iota3A_89 = vector.shape_cast %iota3A : vector<1x128xi32> to vector<128xi32>
    %eq3A = arith.constant 0 : i32
    %eq3A_90 = vector.broadcast %eq3A : i32 to vector<128xi32>
    %eq3A_91 = arith.cmpi eq, %iota3A_89, %eq3A_90 : vector<128xi32>
    %div3A = arith.divf %reduce_sum3A_81, %add3A_88 : f32
    %eq3A_92 = arith.constant 1 : i32
    %eq3A_93 = vector.broadcast %eq3A_92 : i32 to vector<128xi32>
    %eq3A_94 = arith.cmpi eq, %iota3A_89, %eq3A_93 : vector<128xi32>
    %div3A_95 = arith.divf %add3A_76, %add3A_88 : f32
    %jit3A_96 = arith.constant 0.000000e+00 : f32
    %broadcast_in_dim3A_97 = vector.broadcast %div3A_95 : f32 to vector<128xf32>
    %broadcast_in_dim3A_98 = vector.broadcast %jit3A_96 : f32 to vector<128xf32>
    %select_n3A_99 = arith.select %eq3A_94, %broadcast_in_dim3A_97, %broadcast_in_dim3A_98 : vector<128xi1>, vector<128xf32>
    %broadcast_in_dim3A_100 = vector.broadcast %div3A : f32 to vector<128xf32>
    %select_n3A_101 = arith.select %eq3A_91, %broadcast_in_dim3A_100, %select_n3A_99 : vector<128xi1>, vector<128xf32>
    %swap3A = arith.constant 0 : index
    %swap3A_102 = arith.constant 0 : index
    %swap3A_103 = vector.load %arg4[%swap3A, %swap3A_102] : memref<1x128xf32, #tpu.memory_space<vmem>>, vector<1x128xf32>
    %swap3A_104 = vector.shape_cast %swap3A_103 : vector<1x128xf32> to vector<128xf32>
    %swap3A_105 = vector.shape_cast %select_n3A_101 : vector<128xf32> to vector<1x128xf32>
    tpu.vector_store %arg4[%swap3A, %swap3A_102], %swap3A_105 {strides = array<i32>} : memref<1x128xf32, #tpu.memory_space<vmem>>, vector<1x128xf32>,
    return
  }
}

</mosaic_0001>

<sc_bundles>
// kernel: kernel.5.cloned.1.call-start
scs
__scs_entry_jumppad:
0x0: {  	(pc) =	sbr.rel $0x88, $3  }
0x1: {  	(tag) =	ssettag $0x0;
	lr =	simm.s32 $0x1  }
0x2: {  	[smem:$0x3F9C] =	sst lr;
	_ =	strace $0xD0000000  }
0x3: {  	_ = 	snop  }
0x4: {  	_ = 	snop  }
0x5: {  	_ = 	snop  }
0x6: {  	_ = 	snop  }
0x7: {  	_ = 	snop  }
__scs_overlays_trampoline_lowered:
0x8: {  	[smem:$0x3FAB] =	sst s0  }
0x9: {  	[smem:$0x3FAC] =	sst s1  }
0xa: {  	[smem:$0x3FAD] =	sst s2  }
0xb: {  	[smem:$0x3FAE] =	sst s3  }
0xc: {  	[smem:$0x3FAF] =	sst s4  }
0xd: {  	[smem:$0x3FB0] =	sst s5  }
0xe: {  	[smem:$0x3FB1] =	sst s6  }
0xf: {  	[smem:$0x3FB2] =	sst s7  }
0x10: {  	[smem:$0x3FB3] =	sst s8  }
0x11: {  	[smem:$0x3FB4] =	sst s9;
	s0 =	simm.s32 @!p0 $0x0  }
0x12: {  	s1 =	sld [smem:$0x3F9A];
	s0 =	simm.s32 @p0 $0x1  }
0x13: {  	[smem:$0x3FB5] =	sst s0;
	s0 =	simm.s32 @!p1 $0x0  }
0x14: {  	s2 =	sld [smem:$0x3F99];
	s0 =	simm.s32 @p1 $0x1  }
0x15: {  	[smem:$0x3FB6] =	sst s0;
	s0 =	simm.s32 @!p2 $0x0  }
0x16: {  	s3 =	sld [smem:$0x3FDB];
	s0 =	simm.s32 @p2 $0x1  }
0x17: {  	s4 =	simm.s32 $0x1BF5;
	[smem:$0x3FB8] =	sst s0  }
0x18: {  	s0 =	sld [smem:$0x3F9B];
	_ =	swait.ge [sflag:s4], $0x0  }
0x19: {  	s7 =	sld [smem:$0x3F9C]  }
0x1a: {  	s8 =	sadd.s32 $0xFFFFE003, lr  }
0x1b: {  	s9 =	sadd.s32 $0xFFFFFEF7, lr;
	s5 =	simm.s32 $0xFFFFFFFF;
	p2 =	slt.u32 s8, $0xFFFFF086  }
0x1c: {  	p1 =	slt.u32 s9, $0xF7A;
	s5 =	simm.s32 @!p2 $0x0  }
0x1d: {  	s5 =	simm.s32 @p1 $0x1;
	p0 =	seq.s32 s7, s2  }
0x1e: {  	s7 =	smul.u32 @!p0 $0xF7A, s2;
	p2 =	seq.s32 @!p0 s5, $0x0  }
0x1f: {  	s9 =	smul.u32 $0xF7A, s1;
	s8 =	simm.s32 @!p0 $0x1BF5;
	p2 =	por !p2, p0  }
0x20: {  	[sflag:s8] =	ssyncset.s32 @!p0 $0xFFFFF086;
	s6 =	sadd.s32 @!p0 s3, s7;
	s7 =	simm.s32 @!p0 $0x108  }
0x21: {  	s3 =	sadd.s32 s3, s9;
	s6 =	sadd.s32 @!p0 $0x88, s6;
	s7 =	simm.s32 @p2 $0x1082  }
0x22: {  	[simem:s7], [sflag:s8] =	dma.local @!p0 [hbm:s6], $0xF7A  }
0x23: {  	s9 =	sor.u32 $0xD0000000, s2;
	s6 =	simm.s32 $0x108;
	_ =	swait.ge @!p0 [sflag:s8], $0x0  }
0x24: {  	s3 =	sadd.s32 $0x88, s3;
	s6 =	simm.s32 @!p1 $0x1082;
	[sflag:s4] =	ssyncset.s32 $0xFFFFF086  }
0x25: {  	[simem:s6], [sflag:s4] =	dma.local [hbm:s3], $0xF7A  }
0x26: {  	[smem:$0x3F9C] =	sst s1;
	(tag) =	ssettag s2;
	_ =	strace s9  }
0x27: {  	s1 =	sld [smem:$0x3FAC]  }
0x28: {  	s2 =	sld [smem:$0x3FAD]  }
0x29: {  	s4 =	sld [smem:$0x3FAF]  }
0x2a: {  	p0 =	seq.s32 s5, $0x0;
	s5 =	sld [smem:$0x3FB0]  }
0x2b: {  	s6 =	sld [smem:$0x3FB1]  }
0x2c: {  	s7 =	sld [smem:$0x3FB2]  }
0x2d: {  	s3 =	simm.s32 $0x108;
	s8 =	sld [smem:$0x3FB3]  }
0x2e: {  	s3 =	simm.s32 @!p0 $0x1082;
	s9 =	sld [smem:$0x3FB4]  }
0x2f: {  	lr =	sadd.s32 s0, s3;
	s0 =	sld [smem:$0x3FAB]  }
0x30: {  	s3 =	sld [smem:$0x3FAE]  }
0x31: {  	[smem:$0x3FB7] =	sst s10  }
0x32: {  	s10 =	sld [smem:$0x3FB5];
	_ =	sdelay $0x3  }
0x33: {  	p0 =	seq.s32 s10, $0x1;
	s10 =	sld [smem:$0x3FB7];
	_ =	sdelay $0x3  }
0x34: {  	[smem:$0x3FB7] =	sst s10  }
0x35: {  	s10 =	sld [smem:$0x3FB6];
	_ =	sdelay $0x3  }
0x36: {  	p1 =	seq.s32 s10, $0x1;
	s10 =	sld [smem:$0x3FB7];
	_ =	sdelay $0x3  }
0x37: {  	[smem:$0x3FB7] =	sst s10  }
0x38: {  	s10 =	sld [smem:$0x3FB8]  }
0x39: {  	_ = 	snop;
	(pc) =	sbr.ind lr, $3  }
0x3a: {  	_ = 	snop  }
0x3b: {  	_ = 	snop  }
0x3c: {  	p2 =	seq.s32 s10, $0x1;
	s10 =	sld [smem:$0x3FB7]  }
0x3d: {  	_ =	shalt  }
0x3e: {  	_ =	shalt  }
0x3f: {  	_ =	shalt  }
0x40: {  	_ =	shalt  }
0x41: {  	_ =	shalt  }
0x42: {  	_ =	shalt  }
0x43: {  	_ =	shalt  }
0x44: {  	_ =	shalt  }
0x45: {  	_ =	shalt  }
0x46: {  	_ =	shalt  }
0x47: {  	_ =	shalt  }
0x48: {  	_ =	shalt  }
0x49: {  	_ =	shalt  }
0x4a: {  	_ =	shalt  }
0x4b: {  	_ =	shalt  }
0x4c: {  	_ =	shalt  }
0x4d: {  	_ =	shalt  }
0x4e: {  	_ =	shalt  }
0x4f: {  	_ =	shalt  }
0x50: {  	_ =	shalt  }
0x51: {  	_ =	shalt  }
0x52: {  	_ =	shalt  }
0x53: {  	_ =	shalt  }
0x54: {  	_ =	shalt  }
0x55: {  	_ =	shalt  }
0x56: {  	_ =	shalt  }
0x57: {  	_ =	shalt  }
0x58: {  	_ =	shalt  }
0x59: {  	_ =	shalt  }
0x5a: {  	_ =	shalt  }
0x5b: {  	_ =	shalt  }
0x5c: {  	_ =	shalt  }
0x5d: {  	_ =	shalt  }
0x5e: {  	_ =	shalt  }
0x5f: {  	_ =	shalt  }
0x60: {  	_ =	shalt  }
0x61: {  	_ =	shalt  }
0x62: {  	_ =	shalt  }
0x63: {  	_ =	shalt  }
0x64: {  	_ =	shalt  }
0x65: {  	_ =	shalt  }
0x66: {  	_ =	shalt  }
0x67: {  	_ =	shalt  }
0x68: {  	_ =	shalt  }
0x69: {  	_ =	shalt  }
0x6a: {  	_ =	shalt  }
0x6b: {  	_ =	shalt  }
0x6c: {  	_ =	shalt  }
0x6d: {  	_ =	shalt  }
0x6e: {  	_ =	shalt  }
0x6f: {  	_ =	shalt  }
0x70: {  	_ =	shalt  }
0x71: {  	_ =	shalt  }
0x72: {  	_ =	shalt  }
0x73: {  	_ =	shalt  }
0x74: {  	_ =	shalt  }
0x75: {  	_ =	shalt  }
0x76: {  	_ =	shalt  }
0x77: {  	_ =	shalt  }
0x78: {  	_ =	shalt  }
0x79: {  	_ =	shalt  }
0x7a: {  	_ =	shalt  }
0x7b: {  	_ =	shalt  }
0x7c: {  	_ =	shalt  }
0x7d: {  	_ =	shalt  }
0x7e: {  	_ =	shalt  }
0x7f: {  	_ =	shalt  }
0x80: {  	_ =	shalt  }
0x81: {  	_ =	shalt  }
0x82: {  	_ =	shalt  }
0x83: {  	_ =	shalt  }
0x84: {  	_ =	shalt  }
0x85: {  	_ =	shalt  }
0x86: {  	_ =	shalt  }
0x87: {  	_ =	shalt  }
.Lfunc_end0:
.L_simem_size_0:
called_computation_lowered:
.L_overlay_start_0:
0x88: {  	s2 =	sld [smem:$0x3FD9]  }
0x89: {  	s3 =	sld [smem:$0x3FFE];
	_ =	sdelay $0x1  }
0x8a: {  	s1 =	srdreg.scid  }
0x8b: {  	s0 =	sand.u32 $0x1, s1  }
0x8c: {  	s16 =	sshll.u32 s0, $0xA;
	s2 =	sadd.s32 s3, s2  }
0x8d: {  	s2 =	sadd.s32 s2, s16  }
0x8e: {  	[smem:$0x3FC3] =	sst s2  }
0x8f: {  	_ = 	snop  }
0x90: {  	(tm) =	ssettm $0x1  }
0x91: {  	s17 =	sld [smem:$0x3FFB];
	_ =	sdelay $0x3  }
0x92: {  	_ =	strace s17  }
0x93: {  	s2 =	sld [smem:$0x3FFC];
	_ =	sdelay $0x3  }
0x94: {  	_ =	strace s2  }
0x95: {  	s2 =	sld [smem:$0x3FFD];
	_ =	sdelay $0x3  }
0x96: {  	_ =	strace s2  }
0x97: {  	_ =	strace $0x8FFFFFFF  }
0x98: {  	s18 =	sld [smem:$0x3FDB];
	_ =	sdelay $0x1  }
0x99: {  	s19 =	simm.s32 $_scs_section_size  }
0x9a: {  	s4 =	simm.s32 $_size__tile_overlayer_lowered;
	s5 =	simm.s32 $_tile_overlayer_lowered  }
0x9b: {  	s22 =	simm.s32 $0x1BFF;
	s21 =	sshll.u32 s5, $0x1;
	s2 =	sadd.s32 s19, s18  }
0x9c: {  	s6 =	simm.s32 $0x0;
	s20 =	sshll.u32 s4, $0x1;
	s4 =	sadd.s32 s21, s2  }
0x9d: {  	[timem:s6], [sflag:s22] =	dma.local [hbm:s4], s20  }
0x9e: {  	_ =	swait.ge [sflag:s22], s20  }
0x9f: {  	s3 =	ssub.s32 $0x0, s20;
	[sflag:s22] =	ssyncset.done $0x0  }
0xa0: {  	[sflag:s22] =	ssyncadd.s32 s3;
	_ =	sdelay $0x1  }
0xa1: {  	s23 =	simm.s32 $0x1B8B  }
0xa2: {  	_ =	swait.ge [sflag:s23], $0x1  }
0xa3: {  	[sflag:s23] =	ssyncset.done $0x0  }
0xa4: {  	s25 =	simm.s32 $0x1B8E;
	s24 =	sld [smem:$0x3FFE];
	[sflag:s23] =	ssyncadd.s32 $0xFFFFFFFF  }
0xa5: {  	s26 =	simm.s32 $execute0_lowered;
	[smem:$0x3FD2] =	sst s25  }
0xa6: {  	s4 =	sshll.u32 s26, $0x1;
	_ =	strace $0x80000046;
	[dreg:$0x1] =	wrdreg $0xFFFFFFFF  }
0xa7: {  	s28 =	simm.s32 $_size_execute0_lowered;
	s2 =	sadd.s32 s2, s4;
	[dreg:$0x0] =	wrdreg $0x0  }
0xa8: {  	s4 =	sshll.u32 s28, $0x1;
	[dreg:$0x2] =	wrdreg s2  }
0xa9: {  	[dreg:$0x3] =	wrdreg s4  }
0xaa: {  	[dreg:$0x4] =	wrdreg $0xC0  }
0xab: {  	_ =	task [dreg:s6], $0x5FFFF  }
0xac: {  	[dreg:$0x1] =	wrdreg $0xFFFFFFFF  }
0xad: {  	[dreg:$0x0] =	wrdreg $0x60  }
0xae: {  	[dreg:$0x2] =	wrdreg s24  }
0xaf: {  	[dreg:$0x3] =	wrdreg $0x9  }
0xb0: {  	_ =	task.clear_ibuf [dreg:s6], $0x4FFFF;
	_ =	strace $0x90000046  }
0xb1: {  	s29 =	simm.s32 $0x9;
	_ =	strace $0x80000048  }
0xb2: {  	_ =	swait.ge [sflag:s29], $0x1  }
0xb3: {  	[sflag:s29] =	ssyncadd.s32 $0xFFFFFFFF  }
0xb4: {  	_ =	strace $0x90000048  }
0xb5: {  	_ =	sfence  }
0xb6: {  	s30 =	sld [smem:$0x0];
	_ =	sdelay $0x2  }
0xb7: {  	s31 =	sshll.u32 s1, $0xD;
	s1 =	sshrl.u32 s1, $0x2  }
0xb8: {  	s3 =	sand.u32 $0x4000, s31;
	s1 =	sadd.s32 s1, s30  }
0xb9: {  	s0 =	sor.u32 s3, s0;
	s1 =	sshll.u32 s1, $0x11  }
0xba: {  	s0 =	sor.u32 s1, s0  }
0xbb: {  	s0 =	sadd.s32 $0x8F2B, s0  }
0xbc: {  	[sflag:s0] =	ssyncadd.remote.s32 $0x1  }
0xbd: {  	_ =	sfence.sel $0xFFFF  }
0xbe: {  	[dreg:$0x0] =	wrdreg $0xFFFFFFFF;
	(pc) =	sbr.abs _section_cstart, $3  }
0xbf: {  	[dreg:$0x1] =	wrdreg $0xFFFFFFFF  }
0xc0: {  	_ =	task.clear_ibuf [dreg:s6], $0x2FFFF;
	_ =	strace $0x9FFFFFFF  }
0xc1: {  	(tm) =	ssettm $0x7FFFFFFF  }
tec
execute0_lowered:
.L_overlay_start_1:
0x0: {  	(tag) =	ssettag $0x1  }
0x1: {  	s1 =	srdreg.scid  }
0x2: {  	s0 =	stileid.u32;
	s5 =	rddreg [dreg:$0x0]  }
0x3: {  	s2 =	simm.s32 $0x0;
	s11 =	simm.s32 $0xD480;
	s12 =	simm.s32 $0x0  }
0x4: {  	s4 =	sand.u32 $0x1, s1;
	s29 =	sshll.u32 s0, $0x1;
	s1 =	rddreg [dreg:$0x1]  }
0x5: {  	[smem:$0x7FF] =	sst s2;
	s10 =	smul.u32 $0x8870, s0;
	s6 =	sor.u32 s4, s29  }
0x6: {  	_ =	strace $0x80000047;
	s8 =	ssub.s32 $0x2, s4;
	s3 =	smul.u32 $0x4438, s6  }
0x7: {  	s31 =	smul.u32 $0x4438, s4;
	s6 =	sshll.u32 s6, $0x4;
	s9 =	sshrl.u32 s8, $0x1  }
0x8: {  	v1 =	vlaneseq.u32;
	s30 =	ssub.s32 s8, s9;
	s8 =	simm.s32 $0x2;
	s3 =	sshrl.u32 s3, $0x3  }
0x9: {  	v0 =	vmul.u32 $0xFFFFFFFF, v1;
	s9 =	simm.s32 $0x80;
	s7 =	sadd.s32 s3, s5;
	s3 =	sadd.s32 $0x1A00, s5  }
0xa: {  	s5 =	sadd.s32 s6, s5;
	s6 =	smax.u32 s30, $0x1;
	s4 =	sadd.s32 $0xDEF200, s7  }
0xb: {  	v1 =	vmul.u32 $0x51, v1;
	v0 =	vadd.s32 $0x4438, v0;
	s5 =	sadd.s32 $0xE00400, s5;
	s7 =	sadd.s32 s31, s10;
	s10 =	simm.s32 $0x1  }
.LBB2_1:
0xc: {  	[tilespmem:s2], [sflag:$0x2] =	stream.linear.gather [hbm4b:s4+s2], $0x4438, $0x38;
	[tilespmem:$0xD500] =	vst v63  }
0xd: {  	_ =	swait.ge [sflag:s8], $0x4438  }
0xe: {  	s15 =	sadd.s32 $0x70, s7;
	[sflag:s8] =	ssyncset.done $0x0  }
0xf: {  	s14 =	simm.s32 $0x40;
	s13 =	sadd.s32 $0xFFFFFF90, s15;
	[sflag:s8] =	ssyncadd.s32 $0xFFFFBBC8  }
0x10: {  	v3 =	vmov s13;
	v2 =	vld [tilespmem:s14+$0xFFFFFFC0]  }
0x11: {  	v3 =	vmul.u32 $0x51, v3;
	_ =	sdelay $0x1  }
0x12: {  	v3 =	vbroadcast v3, $0x0  }
0x13: {  	s18 =	simm.s32 $0x0  }
0x14: {  	v4 =	vmov s18;
	v2 =	vadd.s32 v2, v3  }
0x15: {  	vm0 =	vlt.u32 v4, v0;
	v2 =	vadd.s32 v1, v2  }
0x16: {  	s13 =	simm.s32 $0x44C0;
	v2 =	vnsel vm0, $0x0, v2  }
0x17: {  	s16 =	sadd.s32 $0xFFFFFFA0, s15;
	[tilespmem:s13+$0xFFFFFFC0] =	vst v2  }
0x18: {  	v3 =	vmov s16;
	v2 =	vld [tilespmem:s14+$0xFFFFFFD0]  }
0x19: {  	v3 =	vmul.u32 $0x51, v3;
	_ =	sdelay $0x1  }
0x1a: {  	v3 =	vbroadcast v3, $0x0  }
0x1b: {  	s19 =	simm.s32 $0x10  }
0x1c: {  	v57 =	vmov s19;
	v2 =	vadd.s32 v2, v3  }
0x1d: {  	vm9 =	vlt.u32 v57, v0;
	v2 =	vadd.s32 v1, v2  }
0x1e: {  	v2 =	vnsel vm9, $0x0, v2  }
0x1f: {  	s20 =	sadd.s32 $0xFFFFFFB0, s15;
	[tilespmem:s13+$0xFFFFFFD0] =	vst v2  }
0x20: {  	v3 =	vmov s20;
	v2 =	vld [tilespmem:s14+$0xFFFFFFE0]  }
0x21: {  	v3 =	vmul.u32 $0x51, v3;
	_ =	sdelay $0x1  }
0x22: {  	v3 =	vbroadcast v3, $0x0  }
0x23: {  	s21 =	simm.s32 $0x20  }
0x24: {  	v58 =	vmov s21;
	v2 =	vadd.s32 v2, v3  }
0x25: {  	vm10 =	vlt.u32 v58, v0;
	v2 =	vadd.s32 v1, v2  }
0x26: {  	v2 =	vnsel vm10, $0x0, v2  }
0x27: {  	s22 =	sadd.s32 $0xFFFFFFC0, s15;
	[tilespmem:s13+$0xFFFFFFE0] =	vst v2  }
0x28: {  	v3 =	vmov s22;
	v2 =	vld [tilespmem:s14+$0xFFFFFFF0]  }
0x29: {  	v3 =	vmul.u32 $0x51, v3;
	_ =	sdelay $0x1  }
0x2a: {  	v3 =	vbroadcast v3, $0x0  }
0x2b: {  	s23 =	simm.s32 $0x30  }
0x2c: {  	v59 =	vmov s23;
	v2 =	vadd.s32 v2, v3  }
0x2d: {  	vm11 =	vlt.u32 v59, v0;
	v2 =	vadd.s32 v1, v2  }
0x2e: {  	v2 =	vnsel vm11, $0x0, v2  }
0x2f: {  	s24 =	sadd.s32 $0xFFFFFFD0, s15;
	[tilespmem:s13+$0xFFFFFFF0] =	vst v2  }
0x30: {  	v3 =	vmov s24;
	v2 =	vld [tilespmem:s14+$0x0]  }
0x31: {  	v3 =	vmul.u32 $0x51, v3;
	_ =	sdelay $0x1  }
0x32: {  	v3 =	vbroadcast v3, $0x0  }
0x33: {  	s25 =	simm.s32 $0x40  }
0x34: {  	v60 =	vmov s25;
	v2 =	vadd.s32 v2, v3  }
0x35: {  	vm12 =	vlt.u32 v60, v0;
	v2 =	vadd.s32 v1, v2  }
0x36: {  	v2 =	vnsel vm12, $0x0, v2  }
0x37: {  	s26 =	sadd.s32 $0xFFFFFFE0, s15;
	[tilespmem:s13+$0x0] =	vst v2  }
0x38: {  	v3 =	vmov s26;
	v2 =	vld [tilespmem:s14+$0x10]  }
0x39: {  	v3 =	vmul.u32 $0x51, v3;
	_ =	sdelay $0x1  }
0x3a: {  	v3 =	vbroadcast v3, $0x0  }
0x3b: {  	s28 =	simm.s32 $0x50  }
0x3c: {  	v61 =	vmov s28;
	v2 =	vadd.s32 v2, v3  }
0x3d: {  	vm13 =	vlt.u32 v61, v0;
	v2 =	vadd.s32 v1, v2  }
0x3e: {  	v2 =	vnsel vm13, $0x0, v2  }
0x3f: {  	s29 =	sadd.s32 $0xFFFFFFF0, s15;
	[tilespmem:s13+$0x10] =	vst v2  }
0x40: {  	v3 =	vmov s29;
	v2 =	vld [tilespmem:s14+$0x20]  }
0x41: {  	v3 =	vmul.u32 $0x51, v3;
	_ =	sdelay $0x1  }
0x42: {  	v3 =	vbroadcast v3, $0x0  }
0x43: {  	s30 =	simm.s32 $0x60  }
0x44: {  	v62 =	vmov s30;
	v2 =	vadd.s32 v2, v3  }
0x45: {  	vm14 =	vlt.u32 v62, v0;
	v2 =	vadd.s32 v1, v2  }
0x46: {  	v2 =	vnsel vm14, $0x0, v2  }
0x47: {  	[tilespmem:s13+$0x20] =	vst v2  }
0x48: {  	v3 =	vmov s15;
	v2 =	vld [tilespmem:s14+$0x30]  }
0x49: {  	v3 =	vmul.u32 $0x51, v3;
	_ =	sdelay $0x1  }
0x4a: {  	v3 =	vbroadcast v3, $0x0  }
0x4b: {  	s31 =	simm.s32 $0x70  }
0x4c: {  	v63 =	vmov s31;
	v2 =	vadd.s32 v2, v3  }
0x4d: {  	vm15 =	vlt.u32 v63, v0;
	v2 =	vadd.s32 v1, v2  }
0x4e: {  	s17 =	simm.s32 $0x170;
	s16 =	sadd.s32 $0xF0, s7;
	s15 =	simm.s32 $0xF0;
	v2 =	vnsel vm15, $0x0, v2  }
.LBB2_2:
0x4f: {  	p0 =	sne.s32 s17, $0x4470;
	s18 =	sadd.s32 $0xFFFFFF90, s16;
	[tilespmem:s13+$0x30] =	vst v2;
	s14 =	sadd.s32 $0x80, s14  }
0x50: {  	v2 =	vld [tilespmem:s14+$0xFFFFFFC0];
	v3 =	vmov s18  }
0x51: {  	v3 =	vmul.u32 $0x51, v3;
	_ =	sdelay $0x1  }
0x52: {  	v3 =	vbroadcast v3, $0x0  }
0x53: {  	s18 =	sadd.s32 $0xFFFFFF90, s15  }
0x54: {  	v4 =	vmov s18;
	v2 =	vadd.s32 v2, v3  }
0x55: {  	vm0 =	vlt.u32 v4, v0;
	v2 =	vadd.s32 v1, v2  }
0x56: {  	s13 =	sadd.s32 $0x80, s13;
	v2 =	vnsel vm0, $0x0, v2  }
0x57: {  	s18 =	sadd.s32 $0xFFFFFFA0, s16;
	[tilespmem:s13+$0xFFFFFFC0] =	vst v2  }
0x58: {  	v3 =	vmov s18;
	v2 =	vld [tilespmem:s14+$0xFFFFFFD0]  }
0x59: {  	v3 =	vmul.u32 $0x51, v3;
	_ =	sdelay $0x1  }
0x5a: {  	v3 =	vbroadcast v3, $0x0  }
0x5b: {  	s18 =	sadd.s32 $0xFFFFFFA0, s15  }
0x5c: {  	v4 =	vmov s18;
	v2 =	vadd.s32 v2, v3  }
0x5d: {  	vm0 =	vlt.u32 v4, v0;
	v2 =	vadd.s32 v1, v2  }
0x5e: {  	v2 =	vnsel vm0, $0x0, v2  }
0x5f: {  	s18 =	sadd.s32 $0xFFFFFFB0, s16;
	[tilespmem:s13+$0xFFFFFFD0] =	vst v2  }
0x60: {  	v3 =	vmov s18;
	v2 =	vld [tilespmem:s14+$0xFFFFFFE0]  }
0x61: {  	v3 =	vmul.u32 $0x51, v3;
	_ =	sdelay $0x1  }
0x62: {  	v3 =	vbroadcast v3, $0x0  }
0x63: {  	s18 =	sadd.s32 $0xFFFFFFB0, s15  }
0x64: {  	v4 =	vmov s18;
	v2 =	vadd.s32 v2, v3  }
0x65: {  	vm0 =	vlt.u32 v4, v0;
	v2 =	vadd.s32 v1, v2  }
0x66: {  	v2 =	vnsel vm0, $0x0, v2  }
0x67: {  	s18 =	sadd.s32 $0xFFFFFFC0, s16;
	[tilespmem:s13+$0xFFFFFFE0] =	vst v2  }
0x68: {  	v3 =	vmov s18;
	v2 =	vld [tilespmem:s14+$0xFFFFFFF0]  }
0x69: {  	v3 =	vmul.u32 $0x51, v3;
	_ =	sdelay $0x1  }
0x6a: {  	v3 =	vbroadcast v3, $0x0  }
0x6b: {  	s18 =	sadd.s32 $0xFFFFFFC0, s15  }
0x6c: {  	v4 =	vmov s18;
	v2 =	vadd.s32 v2, v3  }
0x6d: {  	vm0 =	vlt.u32 v4, v0;
	v2 =	vadd.s32 v1, v2  }
0x6e: {  	v2 =	vnsel vm0, $0x0, v2  }
0x6f: {  	s18 =	sadd.s32 $0xFFFFFFD0, s16;
	[tilespmem:s13+$0xFFFFFFF0] =	vst v2  }
0x70: {  	v3 =	vmov s18;
	v2 =	vld [tilespmem:s14+$0x0]  }
0x71: {  	v3 =	vmul.u32 $0x51, v3;
	_ =	sdelay $0x1  }
0x72: {  	v3 =	vbroadcast v3, $0x0  }
0x73: {  	s18 =	sadd.s32 $0xFFFFFFD0, s15  }
0x74: {  	v4 =	vmov s18;
	v2 =	vadd.s32 v2, v3  }
0x75: {  	vm0 =	vlt.u32 v4, v0;
	v2 =	vadd.s32 v1, v2  }
0x76: {  	v2 =	vnsel vm0, $0x0, v2  }
0x77: {  	s18 =	sadd.s32 $0xFFFFFFE0, s16;
	[tilespmem:s13+$0x0] =	vst v2  }
0x78: {  	v3 =	vmov s18;
	v2 =	vld [tilespmem:s14+$0x10]  }
0x79: {  	v3 =	vmul.u32 $0x51, v3;
	_ =	sdelay $0x1  }
0x7a: {  	v3 =	vbroadcast v3, $0x0  }
0x7b: {  	s18 =	sadd.s32 $0xFFFFFFE0, s15  }
0x7c: {  	v4 =	vmov s18;
	v2 =	vadd.s32 v2, v3  }
0x7d: {  	vm0 =	vlt.u32 v4, v0;
	v2 =	vadd.s32 v1, v2  }
0x7e: {  	v2 =	vnsel vm0, $0x0, v2  }
0x7f: {  	s18 =	sadd.s32 $0xFFFFFFF0, s16;
	[tilespmem:s13+$0x10] =	vst v2  }
0x80: {  	v3 =	vmov s18;
	v2 =	vld [tilespmem:s14+$0x20]  }
0x81: {  	v3 =	vmul.u32 $0x51, v3;
	_ =	sdelay $0x1  }
0x82: {  	v3 =	vbroadcast v3, $0x0  }
0x83: {  	s18 =	sadd.s32 $0xFFFFFFF0, s15  }
0x84: {  	v4 =	vmov s18;
	v2 =	vadd.s32 v2, v3  }
0x85: {  	vm0 =	vlt.u32 v4, v0;
	v2 =	vadd.s32 v1, v2  }
0x86: {  	v2 =	vnsel vm0, $0x0, v2  }
0x87: {  	[tilespmem:s13+$0x20] =	vst v2  }
0x88: {  	v3 =	vmov s16;
	v2 =	vld [tilespmem:s14+$0x30]  }
0x89: {  	v3 =	vmul.u32 $0x51, v3;
	_ =	sdelay $0x1  }
.Ltmp0:
0x8a: {  	v3 =	vbroadcast v3, $0x0;
	(pc) =	sbr.rel @p0 .LBB2_2-.Ltmp0, $4  }
0x8b: {  	_ = 	snop  }
0x8c: {  	v4 =	vmov s15;
	s15 =	smov.u32 s17;
	v2 =	vadd.s32 v2, v3  }
0x8d: {  	vm0 =	vlt.u32 v4, v0;
	v2 =	vadd.s32 v1, v2  }
0x8e: {  	s17 =	sadd.s32 $0x80, s17;
	s16 =	sadd.s32 s15, s7;
	v2 =	vnsel vm0, $0x0, v2  }
0x8f: {  	s17 =	sadd.s32 $0xFFFFFF90, s16;
	[tilespmem:s13+$0x30] =	vst v2;
	s14 =	sadd.s32 $0x80, s14  }
0x90: {  	v2 =	vld [tilespmem:s14+$0xFFFFFFC0];
	v3 =	vmov s17  }
0x91: {  	v3 =	vmul.u32 $0x51, v3;
	_ =	sdelay $0x1  }
0x92: {  	v3 =	vbroadcast v3, $0x0  }
0x93: {  	s31 =	sadd.s32 $0xFFFFFF90, s15  }
0x94: {  	v4 =	vmov s31;
	v2 =	vadd.s32 v2, v3  }
0x95: {  	vm0 =	vlt.u32 v4, v0;
	v2 =	vadd.s32 v1, v2  }
0x96: {  	s18 =	sadd.s32 $0x80, s13;
	v2 =	vnsel vm0, $0x0, v2  }
0x97: {  	s19 =	sadd.s32 $0xFFFFFFA0, s16;
	[tilespmem:s18+$0xFFFFFFC0] =	vst v2  }
0x98: {  	v3 =	vmov s19;
	v2 =	vld [tilespmem:s14+$0xFFFFFFD0]  }
0x99: {  	v3 =	vmul.u32 $0x51, v3;
	_ =	sdelay $0x1  }
0x9a: {  	v3 =	vbroadcast v3, $0x0  }
0x9b: {  	s20 =	sadd.s32 $0xFFFFFFA0, s15  }
0x9c: {  	v57 =	vmov s20;
	v2 =	vadd.s32 v2, v3  }
0x9d: {  	vm9 =	vlt.u32 v57, v0;
	v2 =	vadd.s32 v1, v2  }
0x9e: {  	v2 =	vnsel vm9, $0x0, v2  }
0x9f: {  	s21 =	sadd.s32 $0xFFFFFFB0, s16;
	[tilespmem:s18+$0xFFFFFFD0] =	vst v2  }
0xa0: {  	v3 =	vmov s21;
	v2 =	vld [tilespmem:s14+$0xFFFFFFE0]  }
0xa1: {  	v3 =	vmul.u32 $0x51, v3;
	_ =	sdelay $0x1  }
0xa2: {  	v3 =	vbroadcast v3, $0x0  }
0xa3: {  	s22 =	sadd.s32 $0xFFFFFFB0, s15  }
0xa4: {  	v58 =	vmov s22;
	v2 =	vadd.s32 v2, v3  }
0xa5: {  	vm10 =	vlt.u32 v58, v0;
	v2 =	vadd.s32 v1, v2  }
0xa6: {  	v2 =	vnsel vm10, $0x0, v2  }
0xa7: {  	s23 =	sadd.s32 $0xFFFFFFC0, s16;
	[tilespmem:s18+$0xFFFFFFE0] =	vst v2  }
0xa8: {  	v3 =	vmov s23;
	v2 =	vld [tilespmem:s14+$0xFFFFFFF0]  }
0xa9: {  	v3 =	vmul.u32 $0x51, v3;
	_ =	sdelay $0x1  }
0xaa: {  	v3 =	vbroadcast v3, $0x0  }
0xab: {  	s24 =	sadd.s32 $0xFFFFFFC0, s15  }
0xac: {  	v59 =	vmov s24;
	v2 =	vadd.s32 v2, v3  }
0xad: {  	vm11 =	vlt.u32 v59, v0;
	v2 =	vadd.s32 v1, v2  }
0xae: {  	v2 =	vnsel vm11, $0x0, v2  }
0xaf: {  	s25 =	sadd.s32 $0xFFFFFFD0, s16;
	[tilespmem:s18+$0xFFFFFFF0] =	vst v2  }
0xb0: {  	v3 =	vmov s25;
	v2 =	vld [tilespmem:s14+$0x0]  }
0xb1: {  	v3 =	vmul.u32 $0x51, v3;
	_ =	sdelay $0x1  }
0xb2: {  	v3 =	vbroadcast v3, $0x0  }
0xb3: {  	s26 =	sadd.s32 $0xFFFFFFD0, s15  }
0xb4: {  	v60 =	vmov s26;
	v2 =	vadd.s32 v2, v3  }
0xb5: {  	vm12 =	vlt.u32 v60, v0;
	v2 =	vadd.s32 v1, v2  }
0xb6: {  	v2 =	vnsel vm12, $0x0, v2  }
0xb7: {  	s28 =	sadd.s32 $0xFFFFFFE0, s16;
	[tilespmem:s18+$0x0] =	vst v2  }
0xb8: {  	v3 =	vmov s28;
	v2 =	vld [tilespmem:s14+$0x10]  }
0xb9: {  	v3 =	vmul.u32 $0x51, v3;
	_ =	sdelay $0x1  }
0xba: {  	v3 =	vbroadcast v3, $0x0  }
0xbb: {  	s29 =	sadd.s32 $0xFFFFFFE0, s15  }
0xbc: {  	v61 =	vmov s29;
	v2 =	vadd.s32 v2, v3  }
0xbd: {  	vm13 =	vlt.u32 v61, v0;
	v2 =	vadd.s32 v1, v2  }
0xbe: {  	v2 =	vnsel vm13, $0x0, v2  }
0xbf: {  	s30 =	sadd.s32 $0xFFFFFFF0, s16;
	[tilespmem:s18+$0x10] =	vst v2  }
0xc0: {  	v3 =	vmov s30;
	v2 =	vld [tilespmem:s14+$0x20]  }
0xc1: {  	v3 =	vmul.u32 $0x51, v3;
	_ =	sdelay $0x1  }
0xc2: {  	v3 =	vbroadcast v3, $0x0  }
0xc3: {  	s31 =	sadd.s32 $0xFFFFFFF0, s15  }
0xc4: {  	v62 =	vmov s31;
	v2 =	vadd.s32 v2, v3  }
0xc5: {  	vm14 =	vlt.u32 v62, v0;
	v2 =	vadd.s32 v1, v2  }
0xc6: {  	v2 =	vnsel vm14, $0x0, v2  }
0xc7: {  	[tilespmem:s18+$0x20] =	vst v2  }
0xc8: {  	v3 =	vmov s16;
	v2 =	vld [tilespmem:s14+$0x30]  }
0xc9: {  	v3 =	vmul.u32 $0x51, v3;
	_ =	sdelay $0x1  }
0xca: {  	v3 =	vbroadcast v3, $0x0;
	_ =	sdelay $0x1  }
0xcb: {  	v63 =	vmov s15;
	v2 =	vadd.s32 v2, v3  }
0xcc: {  	vm15 =	vlt.u32 v63, v0;
	v2 =	vadd.s32 v1, v2  }
0xcd: {  	v2 =	vnsel vm15, $0x0, v2  }
0xce: {  	s13 =	simm.s32 $0x0;
	[tilespmem:s18+$0x30] =	vst v2  }
.LBB2_4:
0xcf: {  	p0 =	sne.s32 s13, $0x11000  }
.Ltmp1:
0xd0: {  	_ = 	snop;
	(pc) =	sbr.rel @p0 .LBB2_4-.Ltmp1, $4  }
0xd1: {  	_ = 	snop  }
0xd2: {  	s14 =	sshra.s32 s13, $0x2  }
0xd3: {  	s13 =	sadd.s32 $0x200, s13;
	s15 =	sadd.s32 $0x8C80, s14;
	s14 =	sadd.s32 $0x4480, s14  }
0xd4: {  	[tilespmem:s15], [sflag:$0x1] =	stream.indirect.gather [hbm4b:s3+s9], $0x1, s14, s9, $0xb8;
	[tilespmem:$0xD500] =	vst v63  }
0xd5: {  	s13 =	simm.s32 $0x89  }
.LBB2_6:
0xd6: {  	p0 =	sne.s32 s13, $0x1  }
.Ltmp2:
0xd7: {  	_ = 	snop;
	(pc) =	sbr.rel @p0 .LBB2_6-.Ltmp2, $4  }
0xd8: {  	_ = 	snop  }
0xd9: {  	_ =	swait.ge [sflag:s10], $0x80  }
0xda: {  	[sflag:s10] =	ssyncset.done $0x0  }
0xdb: {  	s13 =	sadd.s32 $0xFFFFFFFF, s13;
	[sflag:s10] =	ssyncadd.s32 $0xFFFFFF80  }
0xdc: {  	s13 =	simm.s32 $0x8CC0  }
0xdd: {  	v2 =	vld [tilespmem:s13+$0xFFFFFFC0];
	_ =	sdelay $0x1  }
0xde: {  	s14 =	simm.s32 $0x0;
	v3 =	vld [tilespmem:s13+$0xFFFFFFD0]  }
0xdf: {  	v4 =	vmov s14  }
0xe0: {  	s25 =	simm.s32 $0x10;
	vm0 =	vlt.u32 v4, v0;
	v4 =	vld [tilespmem:s13+$0xFFFFFFE0]  }
0xe1: {  	v5 =	vimm.f32 $0.0e+00;
	v6 =	vmov s25;
	v2 =	vnsel vm0, $0x0, v2  }
0xe2: {  	s26 =	simm.s32 $0x20;
	vm0 =	vlt.u32 v6, v0;
	v2 =	vadd.f32 v2, v5;
	v5 =	vld [tilespmem:s13+$0xFFFFFFF0]  }
0xe3: {  	v6 =	vmov s26;
	v3 =	vnsel vm0, $0x0, v3  }
0xe4: {  	s28 =	simm.s32 $0x30;
	vm0 =	vlt.u32 v6, v0;
	v2 =	vadd.f32 v3, v2;
	v3 =	vld [tilespmem:s13+$0x0]  }
0xe5: {  	v6 =	vmov s28;
	v4 =	vnsel vm0, $0x0, v4  }
0xe6: {  	s29 =	simm.s32 $0x40;
	vm0 =	vlt.u32 v6, v0;
	v6 =	vld [tilespmem:s13+$0x10];
	v2 =	vadd.f32 v4, v2  }
0xe7: {  	v4 =	vnsel vm0, $0x0, v5;
	v5 =	vmov s29  }
0xe8: {  	s30 =	simm.s32 $0x50;
	v2 =	vadd.f32 v4, v2;
	vm0 =	vlt.u32 v5, v0;
	v4 =	vld [tilespmem:s13+$0x20]  }
0xe9: {  	v5 =	vmov s30;
	v3 =	vnsel vm0, $0x0, v3  }
0xea: {  	s31 =	simm.s32 $0x60;
	vm0 =	vlt.u32 v5, v0;
	v7 =	vadd.f32 v3, v2;
	v2 =	vld [tilespmem:s13+$0x30]  }
0xeb: {  	s14 =	simm.s32 $0x8D40;
	v5 =	vnsel vm0, $0x0, v6;
	v6 =	vmov s31  }
0xec: {  	s15 =	simm.s32 $0x70;
	s16 =	simm.s32 $0x170;
	s13 =	simm.s32 $0xF0;
	v3 =	vld [tilespmem:s14+$0xFFFFFFC0];
	vm0 =	vlt.u32 v6, v0;
	v5 =	vadd.f32 v5, v7  }
.LBB2_8:
0xed: {  	p0 =	sne.s32 s16, $0x4470;
	v4 =	vnsel vm0, $0x0, v4;
	v6 =	vmov s15;
	s15 =	smov.u32 s13;
	s13 =	smov.u32 s16  }
0xee: {  	s17 =	sadd.s32 $0xFFFFFF90, s15;
	v7 =	vld [tilespmem:s14+$0xFFFFFFD0];
	v4 =	vadd.f32 v4, v5;
	vm0 =	vlt.u32 v6, v0  }
0xef: {  	v5 =	vmov s17;
	v2 =	vnsel vm0, $0x0, v2  }
0xf0: {  	s17 =	sadd.s32 $0xFFFFFFA0, s15;
	vm0 =	vlt.u32 v5, v0;
	v5 =	vld [tilespmem:s14+$0xFFFFFFE0];
	v2 =	vadd.f32 v2, v4  }
0xf1: {  	v4 =	vmov s17;
	v3 =	vnsel vm0, $0x0, v3  }
0xf2: {  	s17 =	sadd.s32 $0xFFFFFFB0, s15;
	vm0 =	vlt.u32 v4, v0;
	v2 =	vadd.f32 v3, v2;
	v3 =	vld [tilespmem:s14+$0xFFFFFFF0]  }
0xf3: {  	v6 =	vmov s17;
	v4 =	vnsel vm0, $0x0, v7  }
0xf4: {  	s17 =	sadd.s32 $0xFFFFFFC0, s15;
	vm0 =	vlt.u32 v6, v0;
	v2 =	vadd.f32 v4, v2;
	v6 =	vld [tilespmem:s14+$0x0]  }
0xf5: {  	v4 =	vnsel vm0, $0x0, v5;
	v5 =	vmov s17  }
0xf6: {  	s17 =	sadd.s32 $0xFFFFFFD0, s15;
	v2 =	vadd.f32 v4, v2;
	vm0 =	vlt.u32 v5, v0;
	v5 =	vld [tilespmem:s14+$0x10]  }
0xf7: {  	v4 =	vmov s17;
	v3 =	vnsel vm0, $0x0, v3  }
.Ltmp3:
0xf8: {  	s17 =	sadd.s32 $0xFFFFFFE0, s15;
	vm0 =	vlt.u32 v4, v0;
	v2 =	vadd.f32 v3, v2;
	v4 =	vld [tilespmem:s14+$0x20];
	(pc) =	sbr.rel @p0 .LBB2_8-.Ltmp3, $4  }
0xf9: {  	v3 =	vnsel vm0, $0x0, v6;
	v6 =	vmov s17  }
0xfa: {  	s17 =	sadd.s32 $0xFFFFFFF0, s15;
	v7 =	vadd.f32 v3, v2;
	vm0 =	vlt.u32 v6, v0;
	v2 =	vld [tilespmem:s14+$0x30]  }
0xfb: {  	v6 =	vmov s17;
	s14 =	sadd.s32 $0x80, s14;
	v5 =	vnsel vm0, $0x0, v5  }
0xfc: {  	s16 =	sadd.s32 $0x80, s16;
	vm0 =	vlt.u32 v6, v0;
	v3 =	vld [tilespmem:s14+$0xFFFFFFC0];
	v5 =	vadd.f32 v5, v7  }
0xfd: {  	v4 =	vnsel vm0, $0x0, v4;
	v6 =	vmov s15  }
0xfe: {  	s24 =	sadd.s32 $0xFFFFFF90, s13;
	v7 =	vld [tilespmem:s14+$0xFFFFFFD0];
	v4 =	vadd.f32 v4, v5;
	vm7 =	vlt.u32 v6, v0  }
0xff: {  	v52 =	vmov s24;
	v2 =	vnsel vm7, $0x0, v2  }
0x100: {  	s25 =	sadd.s32 $0xFFFFFFA0, s13;
	v53 =	vld [tilespmem:s14+$0xFFFFFFE0];
	vm8 =	vlt.u32 v52, v0;
	v2 =	vadd.f32 v2, v4  }
0x101: {  	v54 =	vmov s25;
	v3 =	vnsel vm8, $0x0, v3  }
0x102: {  	s26 =	sadd.s32 $0xFFFFFFB0, s13;
	vm9 =	vlt.u32 v54, v0;
	v2 =	vadd.f32 v3, v2;
	v3 =	vld [tilespmem:s14+$0xFFFFFFF0]  }
0x103: {  	v55 =	vmov s26;
	v4 =	vnsel vm9, $0x0, v7  }
0x104: {  	s28 =	sadd.s32 $0xFFFFFFC0, s13;
	v56 =	vld [tilespmem:s14+$0x0];
	vm10 =	vlt.u32 v55, v0;
	v2 =	vadd.f32 v4, v2  }
0x105: {  	v57 =	vmov s28;
	v5 =	vnsel vm10, $0x0, v53  }
0x106: {  	s29 =	sadd.s32 $0xFFFFFFD0, s13;
	v58 =	vld [tilespmem:s14+$0x10];
	vm11 =	vlt.u32 v57, v0;
	v2 =	vadd.f32 v5, v2  }
0x107: {  	v59 =	vmov s29;
	v3 =	vnsel vm11, $0x0, v3  }
0x108: {  	s30 =	sadd.s32 $0xFFFFFFE0, s13;
	vm12 =	vlt.u32 v59, v0;
	v2 =	vadd.f32 v3, v2;
	v3 =	vld [tilespmem:s14+$0x20]  }
0x109: {  	v60 =	vmov s30;
	v4 =	vnsel vm12, $0x0, v56  }
0x10a: {  	s31 =	sadd.s32 $0xFFFFFFF0, s13;
	v61 =	vld [tilespmem:s14+$0x30];
	vm13 =	vlt.u32 v60, v0;
	v2 =	vadd.f32 v4, v2  }
0x10b: {  	v62 =	vmov s31;
	v5 =	vnsel vm13, $0x0, v58  }
0x10c: {  	vm14 =	vlt.u32 v62, v0;
	v2 =	vadd.f32 v5, v2  }
0x10d: {  	v63 =	vmov s13;
	v3 =	vnsel vm14, $0x0, v3  }
0x10e: {  	vm15 =	vlt.u32 v63, v0;
	v2 =	vadd.f32 v3, v2  }
0x10f: {  	v3 =	vnsel vm15, $0x0, v61  }
0x110: {  	s12 =	sadd.s32 $0x1, s12;
	v2 =	vadd.f32 v3, v2  }
0x111: {  	p0 =	sne.s32 s12, s6  }
.Ltmp4:
0x112: {  	[tilespmem:$0xD480] =	vst v2;
	(pc) =	sbr.rel @p0 .LBB2_1-.Ltmp4, $4  }
0x113: {  	[hbm4b:s5+s2] =	stream.linear.scatter [tilespmem:s11], [sflag:$0x2], $0x80, $0x38;
	[tilespmem:$0xD500] =	vst v63  }
0x114: {  	_ =	swait.ge [sflag:s8], $0x80  }
0x115: {  	[sflag:s8] =	ssyncset.done $0x0  }
0x116: {  	[sflag:s8] =	ssyncadd.s32 $0xFFFFFF80  }
0x117: {  	_ =	sfence.sel $0x180000  }
0x118: {  	[bflag:$0x0] =	sbarrier.arrive $0xFFFF  }
0x119: {  	p0 =	sne.s32 s0, $0x0;
	_ =	strace $0x90000047  }
0x11a: {  	s0 =	sadd.s32 @!p0 $0x100000, s1;
	[bflag:$0x2] =	sbarrier.arrive $0xFFFF  }
0x11b: {  	[sflag:s0] =	ssyncadd.tile.s32 @!p0 $0x1;
	_ =	shalt  }
.Lfunc_end2:
_tile_overlayer_lowered:
.L_overlay_start_2:
0x11c: {  	(tag) =	ssettag $0x2  }
0x11d: {  	s0 =	rddreg [dreg:$0x0];
	s2 =	stileid.u32  }
0x11e: {  	s1 =	rddreg [dreg:$0x1];
	p0 =	sne.s32 s2, $0x0  }
0x11f: {  	s3 =	rddreg [dreg:$0x2];
	[bflag:$0x3] =	sbarrier.arrive $0xFFFF;
	s2 =	simm.s32 @!p0 $0x1C02  }
0x120: {  	[timem:s3], [sflag:s2] =	dma.local @!p0 [hbm:s0], s1  }
0x121: {  	s0 =	simm.s32 @!p0 $0x2  }
0x122: {  	_ =	swait.ge @!p0 [sflag:s0], s1  }
0x123: {  	s1 =	ssub.s32 @!p0 $0x0, s1;
	[sflag:s0] =	ssyncset.done @!p0 $0x0  }
0x124: {  	[sflag:s0] =	ssyncadd.s32 @!p0 s1  }
0x125: {  	[bflag:$0x3] =	sbarrier.arrive $0xFFFF  }
0x126: {  	_ =	shalt  }

</sc_bundles>
